<compile_context>
chip_gen: v7x
topology: tpu7x:2x2x1
jax: 0.10.2.dev20260603
libtpu: 0.0.44.dev20260713+nightly
codegen_flags: <defaults>
</compile_context>

<pallas_src>
import functools

import jax
import jax.numpy as jnp
from jax import lax
from jax.experimental import pallas as pl
from jax.experimental.pallas import tpu as pltpu
from jax.experimental.pallas import tpu_sc as plsc

EMBED = 64
_PAIRW = 128
_BLK = 128
_NSLOT = 3
_NOBUF = 2
_LANES = 16


@functools.lru_cache(maxsize=None)
def _make_gather(vocab: int, n_idx: int, n_i: int):
    info = plsc.get_sparse_core_info()
    nc, ns = info.num_cores, info.num_subcores
    nw = nc * ns
    assert n_idx % (nw * _BLK) == 0 and n_i % _BLK == 0
    per_w = n_idx // nw
    n_blocks = per_w // _BLK
    blocks_per_i = n_i // _BLK

    mesh = plsc.VectorSubcoreMesh(core_axis_name="c", subcore_axis_name="s")

    @functools.partial(
        pl.kernel,
        mesh=mesh,
        out_type=jax.ShapeDtypeStruct((n_idx // n_i * EMBED, n_i),
                                      jnp.float32),
        scratch_types=[
            pltpu.VMEM((per_w,), jnp.int32),
            pltpu.VMEM((per_w,), jnp.int32),
            pltpu.VMEM((_NSLOT * _BLK, _PAIRW), jnp.float32),
            pltpu.VMEM((_NOBUF * EMBED, _BLK), jnp.float32),
            pltpu.SemaphoreType.DMA,
            pltpu.SemaphoreType.DMA,
        ],
        compiler_params=pltpu.CompilerParams(needs_layout_passes=False),
    )
    def gather(table_hbm, idx_hbm, out_hbm, p_v, h_v, rows_v, obuf, g_sem,
               w_sem):
        wid = lax.axis_index("s") * nc + lax.axis_index("c")
        base = wid * per_w

        pltpu.sync_copy(idx_hbm.at[pl.ds(base, per_w)], p_v)

        @plsc.parallel_loop(0, per_w // _LANES, step=1, unroll=4)
        def _prep(k):
            v = p_v[pl.ds(k * _LANES, _LANES)]
            p_v[pl.ds(k * _LANES, _LANES)] = lax.shift_right_logical(v, 1)
            h_v[pl.ds(k * _LANES, _LANES)] = lax.shift_left(
                lax.bitwise_and(v, 1), 6)

        def fire_gather(b, slot):
            pltpu.async_copy(
                table_hbm.at[p_v.at[pl.ds(b * _BLK, _BLK)]],
                rows_v.at[pl.ds(slot * _BLK, _BLK)],
                g_sem,
            )

        def drain_gather():
            pltpu.make_async_copy(
                table_hbm.at[pl.ds(0, _BLK)],
                rows_v.at[pl.ds(0, _BLK)],
                g_sem,
            ).wait()

        def drain_write():
            pltpu.make_async_copy(
                obuf.at[pl.ds(0, EMBED)],
                out_hbm.at[pl.ds(0, EMBED), pl.ds(0, _BLK)],
                w_sem,
            ).wait()

        groups = _BLK // _LANES
        _UNROLL = 16

        def shuffle(b, slot, os):
            iota = lax.iota(jnp.int32, _LANES)
            rowvs = [iota + (slot * _BLK + g2 * _LANES)
                     for g2 in range(groups)]
            colvs = [h_v[pl.ds(b * _BLK + g2 * _LANES, _LANES)]
                     for g2 in range(groups)]
            scols = [iota + g2 * _LANES for g2 in range(groups)]

            @plsc.parallel_loop(0, EMBED, step=1, unroll=_UNROLL)
            def _dstep(d):
                t = lax.bitwise_and(iota + d, EMBED - 1)
                orows = t + os * EMBED
                for g2 in range(groups):
                    r = plsc.load_gather(rows_v, [rowvs[g2], colvs[g2] + t])
                    plsc.store_scatter(obuf, [orows, scols[g2]], r)

        fire_gather(0, 0)
        fire_gather(1, 1)

        def step(b, carry):
            slot = lax.rem(b, _NSLOT)
            os = lax.rem(b, _NOBUF)

            @pl.when(b >= _NOBUF)
            def _():
                drain_write()

            @pl.when(b + 2 < n_blocks)
            def _():
                fire_gather(b + 2, lax.rem(b + 2, _NSLOT))

            drain_gather()
            shuffle(b, slot, os)
            jb = wid * n_blocks + b
            j = lax.div(jb, blocks_per_i)
            i0 = lax.rem(jb, blocks_per_i) * _BLK
            pltpu.async_copy(
                obuf.at[pl.ds(os * EMBED, EMBED)],
                out_hbm.at[pl.ds(j * EMBED, EMBED), pl.ds(i0, _BLK)],
                w_sem,
            )
            return carry

        lax.fori_loop(0, n_blocks, step, 0)
        for _ in range(min(_NOBUF, n_blocks)):
            drain_write()

    return gather


def kernel(x, word_embeddings):
    n_i, n_j = x.shape
    vocab = word_embeddings.shape[0]
    tbl2 = word_embeddings.reshape(vocab // 2, _PAIRW)
    xt = x.T.reshape(-1).astype(jnp.int32)
    out = _make_gather(vocab, x.size, n_i)(tbl2, xt)
    return out.reshape(n_j, EMBED, n_i).transpose(2, 0, 1)

# --- scband reference (transcript-rebuilt; emitter-appended) ---
"""Pipeline reference for scband-bert-embeddings-81080392614786 (READ-ONLY COPY).

The authoritative reference and input builder live on the scoring server;
editing this copy changes nothing except your own understanding.
"""

import jax, jax.numpy as jnp
import numpy as np

VOCAB = 1000000
EMBED = 64

def setup_inputs(seed: int = 0) -> dict:
    key = jax.random.key(seed)
    k_idx, k_tab = jax.random.split(key)
    x = jax.random.randint(k_idx, (4096, 200), 0, VOCAB, dtype=jnp.int64 if jax.config.jax_enable_x64 else jnp.int32)
    word_embeddings = jax.random.normal(k_tab, (VOCAB, EMBED), dtype=jnp.float32) * 0.02
    return {"x": x, "word_embeddings": word_embeddings}

def reference(x, word_embeddings):
    # BertEmbeddings.forward: words_embeddings = self.word_embeddings(x)
    words_embeddings = jnp.take(word_embeddings, x, axis=0)
    return words_embeddings

if __name__ == "__main__":
    import jax
    _d = setup_inputs()
    print(jax.jit(kernel)(*tuple(_d.values())))

</pallas_src>

<mosaic_0001>
#map = affine_map<(d0, d1) -> (0, 0)>
#map1 = affine_map<(d0, d1) -> (0)>
module attributes {stable_mosaic.version = 14 : i64} {
  func.func @gather(%arg0: i32, %arg1: i32, %arg2: memref<500000x128xf32, #tpu.memory_space<hbm>>, %arg3: memref<819200xi32, #tpu.memory_space<hbm>>, %arg4: memref<12800x4096xf32, #tpu.memory_space<hbm>>, %arg5: memref<25600xi32, #tpu.memory_space<vmem>>, %arg6: memref<25600xi32, #tpu.memory_space<vmem>>, %arg7: memref<384x128xf32, #tpu.memory_space<vmem>>, %arg8: memref<128x128xf32, #tpu.memory_space<vmem>>, %arg9: memref<!tpu.dma_semaphore, #tpu.memory_space<semaphore_mem>>, %arg10: memref<!tpu.dma_semaphore, #tpu.memory_space<semaphore_mem>>) attributes {dimension_semantics = [#tpu.dimension_semantics<core_parallel>, #tpu.dimension_semantics<subcore_parallel>], iteration_bounds = array<i64: 2, 16>, scalar_prefetch = 0 : i64, scratch_operands = 6 : i64, tpu.core_type = #tpu.core_type<sc_vector_subcore>, window_params = [{transform_indices = #map}, {transform_indices = #map1}, {transform_indices = #map}]} {
    %mul3A = arith.constant 2 : i32
    %mul3A_0 = arith.muli %arg1, %mul3A : i32
    %add3A = arith.addi %mul3A_0, %arg0 : i32
    %mul3A_1 = arith.constant 25600 : i32
    %mul3A_2 = arith.muli %add3A, %mul3A_1 : i32
    "tpu.region"() ({
      %run_scoped3A = tpu.sem_alloc : memref<!tpu.dma_semaphore, #tpu.memory_space<semaphore_mem>>
      %dma_start3A_48 = tpu.memref_slice %arg3[%mul3A_2] : memref<819200xi32, #tpu.memory_space<hbm>> -> memref<25600xi32, #tpu.memory_space<hbm>>
      %dma_start3A_49 = tpu.memref_slice %arg3[%mul3A_2] : memref<819200xi32, #tpu.memory_space<hbm>> -> memref<25600xi32, #tpu.memory_space<hbm>>
      tpu.enqueue_dma source(%dma_start3A_49 : memref<25600xi32, #tpu.memory_space<hbm>>) target(%arg5 : memref<25600xi32, #tpu.memory_space<vmem>>) target_semaphore(%run_scoped3A : memref<!tpu.dma_semaphore, #tpu.memory_space<semaphore_mem>>)
      %dma_wait3A_50 = tpu.memref_slice %arg3[%mul3A_2] : memref<819200xi32, #tpu.memory_space<hbm>> -> memref<25600xi32, #tpu.memory_space<hbm>>
      %dma_wait3A_51 = tpu.memref_slice %arg3[%mul3A_2] : memref<819200xi32, #tpu.memory_space<hbm>> -> memref<25600xi32, #tpu.memory_space<hbm>>
      tpu.wait_dma2 semaphore(%run_scoped3A : memref<!tpu.dma_semaphore, #tpu.memory_space<semaphore_mem>>) src(%dma_wait3A_51 : memref<25600xi32, #tpu.memory_space<hbm>>) dst(%arg5 : memref<25600xi32, #tpu.memory_space<vmem>>)
      tpu.yield
    }) : () -> ()
    %parallel_loop3A = arith.constant 0 : i32
    %parallel_loop3A_3 = arith.constant 1600 : i32
    %parallel_loop3A_4 = arith.constant 1 : i32
    scf.for %parallel_loop3A_48 = %parallel_loop3A to %parallel_loop3A_3 step %parallel_loop3A_4  : i32 {
      %parallel_loop3A_49 = arith.constant 16 : i32
      %parallel_loop3A_50 = arith.muli %parallel_loop3A_48, %parallel_loop3A_49 : i32
      %parallel_loop3A_51 = arith.index_cast %parallel_loop3A_50 : i32 to index
      %parallel_loop3A_52 = tpu.vector_load %arg5[%parallel_loop3A_51] {strides = array<i32>} : memref<25600xi32, #tpu.memory_space<vmem>>, vector<16xi32>,
      %parallel_loop3A_53 = arith.constant 1 : i32
      %parallel_loop3A_54 = vector.broadcast %parallel_loop3A_53 : i32 to vector<16xi32>
      %parallel_loop3A_55 = arith.shrui %parallel_loop3A_52, %parallel_loop3A_54 : vector<16xi32>
      %parallel_loop3A_56 = arith.constant 16 : i32
      %parallel_loop3A_57 = arith.muli %parallel_loop3A_48, %parallel_loop3A_56 : i32
      %parallel_loop3A_58 = arith.index_cast %parallel_loop3A_57 : i32 to index
      %parallel_loop3A_59 = tpu.vector_load %arg5[%parallel_loop3A_58] {strides = array<i32>} : memref<25600xi32, #tpu.memory_space<vmem>>, vector<16xi32>,
      tpu.vector_store %arg5[%parallel_loop3A_58], %parallel_loop3A_55 {strides = array<i32>} : memref<25600xi32, #tpu.memory_space<vmem>>, vector<16xi32>,
      %parallel_loop3A_60 = arith.constant 1 : i32
      %parallel_loop3A_61 = vector.broadcast %parallel_loop3A_60 : i32 to vector<16xi32>
      %parallel_loop3A_62 = arith.andi %parallel_loop3A_52, %parallel_loop3A_61 : vector<16xi32>
      %parallel_loop3A_63 = arith.constant 6 : i32
      %parallel_loop3A_64 = vector.broadcast %parallel_loop3A_63 : i32 to vector<16xi32>
      %parallel_loop3A_65 = arith.shli %parallel_loop3A_62, %parallel_loop3A_64 : vector<16xi32>
      %parallel_loop3A_66 = arith.constant 16 : i32
      %parallel_loop3A_67 = arith.muli %parallel_loop3A_48, %parallel_loop3A_66 : i32
      %parallel_loop3A_68 = arith.index_cast %parallel_loop3A_67 : i32 to index
      %parallel_loop3A_69 = tpu.vector_load %arg6[%parallel_loop3A_68] {strides = array<i32>} : memref<25600xi32, #tpu.memory_space<vmem>>, vector<16xi32>,
      tpu.vector_store %arg6[%parallel_loop3A_68], %parallel_loop3A_65 {strides = array<i32>} : memref<25600xi32, #tpu.memory_space<vmem>>, vector<16xi32>,
    } {sc.loop_unroll_factor = 4 : i64, sc.parallel_access}
    %dma_start3A = arith.constant 0 : i32
    %dma_start3A_5 = arith.constant 0 : i32
    %dma_start3A_6 = tpu.memref_slice %arg7[%dma_start3A, %dma_start3A_5] : memref<384x128xf32, #tpu.memory_space<vmem>> -> memref<128x128xf32, #tpu.memory_space<vmem>>
    %dma_start3A_7 = arith.constant 0 : i32
    %dma_start3A_8 = tpu.memref_slice %arg5[%dma_start3A_7] : memref<25600xi32, #tpu.memory_space<vmem>> -> memref<128xi32, #tpu.memory_space<vmem>>
    %dma_start3A_9 = arith.constant 0 : i32
    %dma_start3A_10 = arith.constant 0 : i32
    %dma_start3A_11 = tpu.memref_slice %arg2[%dma_start3A_9, %dma_start3A_10] : memref<500000x128xf32, #tpu.memory_space<hbm>> -> memref<500000x128xf32, #tpu.memory_space<hbm>>
    tpu.enqueue_indirect_dma source(%dma_start3A_11 : memref<500000x128xf32, #tpu.memory_space<hbm>>) target(%dma_start3A_6 : memref<128x128xf32, #tpu.memory_space<vmem>>) offsets(%dma_start3A_8 : memref<128xi32, #tpu.memory_space<vmem>>) semaphore(%arg9 : memref<!tpu.dma_semaphore, #tpu.memory_space<semaphore_mem>>)
    %dma_start3A_12 = arith.constant 128 : i32
    %dma_start3A_13 = arith.constant 0 : i32
    %dma_start3A_14 = tpu.memref_slice %arg7[%dma_start3A_12, %dma_start3A_13] : memref<384x128xf32, #tpu.memory_space<vmem>> -> memref<128x128xf32, #tpu.memory_space<vmem>>
    %dma_start3A_15 = arith.constant 128 : i32
    %dma_start3A_16 = tpu.memref_slice %arg5[%dma_start3A_15] : memref<25600xi32, #tpu.memory_space<vmem>> -> memref<128xi32, #tpu.memory_space<vmem>>
    %dma_start3A_17 = arith.constant 0 : i32
    %dma_start3A_18 = arith.constant 0 : i32
    %dma_start3A_19 = tpu.memref_slice %arg2[%dma_start3A_17, %dma_start3A_18] : memref<500000x128xf32, #tpu.memory_space<hbm>> -> memref<500000x128xf32, #tpu.memory_space<hbm>>
    tpu.enqueue_indirect_dma source(%dma_start3A_19 : memref<500000x128xf32, #tpu.memory_space<hbm>>) target(%dma_start3A_14 : memref<128x128xf32, #tpu.memory_space<vmem>>) offsets(%dma_start3A_16 : memref<128xi32, #tpu.memory_space<vmem>>) semaphore(%arg9 : memref<!tpu.dma_semaphore, #tpu.memory_space<semaphore_mem>>)
    %scan3A = arith.constant 0 : i32
    %scan3A_20 = arith.constant 0 : i32
    %scan3A_21 = arith.constant 200 : i32
    %scan3A_22 = arith.addi %scan3A_20, %scan3A_21 : i32
    %scan3A_23 = arith.constant 1 : i32
    scf.for %scan3A_48 = %scan3A_20 to %scan3A_22 step %scan3A_23  : i32 {
      %rem3A = arith.constant 3 : i32
      %rem3A_49 = arith.remsi %scan3A_48, %rem3A : i32
      %rem3A_50 = arith.constant 2 : i32
      %rem3A_51 = arith.remsi %scan3A_48, %rem3A_50 : i32
      %ge3A = arith.constant 2 : i32
      %ge3A_52 = arith.cmpi sge, %scan3A_48, %ge3A : i32
      %convert_element_type3A = arith.extui %ge3A_52 : i1 to i32
      %cond3A = arith.constant 0 : i32
      %cond3A_53 = arith.cmpi ne, %convert_element_type3A, %cond3A : i32
      scf.if %cond3A_53 {
        %dma_wait3A_212 = arith.constant 0 : i32
        %dma_wait3A_213 = arith.constant 0 : i32
        %dma_wait3A_214 = tpu.memref_slice %arg8[%dma_wait3A_212, %dma_wait3A_213] : memref<128x128xf32, #tpu.memory_space<vmem>> -> memref<64x128xf32, #tpu.memory_space<vmem>>
        %dma_wait3A_215 = arith.constant 0 : i32
        %dma_wait3A_216 = arith.constant 0 : i32
        %dma_wait3A_217 = tpu.memref_slice %arg4[%dma_wait3A_215, %dma_wait3A_216] : memref<12800x4096xf32, #tpu.memory_space<hbm>> -> memref<64x128xf32, #tpu.memory_space<hbm>>
        %dma_wait3A_218 = arith.constant 0 : i32
        %dma_wait3A_219 = arith.constant 0 : i32
        %dma_wait3A_220 = tpu.memref_slice %arg4[%dma_wait3A_218, %dma_wait3A_219] : memref<12800x4096xf32, #tpu.memory_space<hbm>> -> memref<64x128xf32, #tpu.memory_space<hbm>>
        %dma_wait3A_221 = arith.constant 0 : i32
        %dma_wait3A_222 = arith.constant 0 : i32
        %dma_wait3A_223 = tpu.memref_slice %arg8[%dma_wait3A_221, %dma_wait3A_222] : memref<128x128xf32, #tpu.memory_space<vmem>> -> memref<64x128xf32, #tpu.memory_space<vmem>>
        tpu.wait_dma2 semaphore(%arg10 : memref<!tpu.dma_semaphore, #tpu.memory_space<semaphore_mem>>) src(%dma_wait3A_223 : memref<64x128xf32, #tpu.memory_space<vmem>>) dst(%dma_wait3A_220 : memref<64x128xf32, #tpu.memory_space<hbm>>)
      } else {
      }
      %add3A_54 = arith.constant 2 : i32
      %add3A_55 = arith.addi %scan3A_48, %add3A_54 : i32
      %lt3A = arith.constant 200 : i32
      %lt3A_56 = arith.cmpi slt, %add3A_55, %lt3A : i32
      %convert_element_type3A_57 = arith.extui %lt3A_56 : i1 to i32
      %cond3A_58 = arith.constant 0 : i32
      %cond3A_59 = arith.cmpi ne, %convert_element_type3A_57, %cond3A_58 : i32
      scf.if %cond3A_59 {
        %add3A_212 = arith.constant 2 : i32
        %add3A_213 = arith.addi %scan3A_48, %add3A_212 : i32
        %add3A_214 = arith.constant 2 : i32
        %add3A_215 = arith.addi %scan3A_48, %add3A_214 : i32
        %rem3A_216 = arith.constant 3 : i32
        %rem3A_217 = arith.remsi %add3A_215, %rem3A_216 : i32
        %mul3A_218 = arith.constant 128 : i32
        %mul3A_219 = arith.muli %add3A_213, %mul3A_218 : i32
        %mul3A_220 = arith.constant 128 : i32
        %mul3A_221 = arith.muli %rem3A_217, %mul3A_220 : i32
        %dma_start3A_222 = arith.constant 0 : i32
        %dma_start3A_223 = tpu.memref_slice %arg7[%mul3A_221, %dma_start3A_222] : memref<384x128xf32, #tpu.memory_space<vmem>> -> memref<128x128xf32, #tpu.memory_space<vmem>>
        %dma_start3A_224 = tpu.memref_slice %arg5[%mul3A_219] : memref<25600xi32, #tpu.memory_space<vmem>> -> memref<128xi32, #tpu.memory_space<vmem>>
        %dma_start3A_225 = arith.constant 0 : i32
        %dma_start3A_226 = arith.constant 0 : i32
        %dma_start3A_227 = tpu.memref_slice %arg2[%dma_start3A_225, %dma_start3A_226] : memref<500000x128xf32, #tpu.memory_space<hbm>> -> memref<500000x128xf32, #tpu.memory_space<hbm>>
        tpu.enqueue_indirect_dma source(%dma_start3A_227 : memref<500000x128xf32, #tpu.memory_space<hbm>>) target(%dma_start3A_223 : memref<128x128xf32, #tpu.memory_space<vmem>>) offsets(%dma_start3A_224 : memref<128xi32, #tpu.memory_space<vmem>>) semaphore(%arg9 : memref<!tpu.dma_semaphore, #tpu.memory_space<semaphore_mem>>)
      } else {
      }
      %dma_wait3A_60 = arith.constant 0 : i32
      %dma_wait3A_61 = arith.constant 0 : i32
      %dma_wait3A_62 = tpu.memref_slice %arg7[%dma_wait3A_60, %dma_wait3A_61] : memref<384x128xf32, #tpu.memory_space<vmem>> -> memref<128x128xf32, #tpu.memory_space<vmem>>
      %dma_wait3A_63 = arith.constant 0 : i32
      %dma_wait3A_64 = arith.constant 0 : i32
      %dma_wait3A_65 = tpu.memref_slice %arg2[%dma_wait3A_63, %dma_wait3A_64] : memref<500000x128xf32, #tpu.memory_space<hbm>> -> memref<128x128xf32, #tpu.memory_space<hbm>>
      %dma_wait3A_66 = arith.constant 0 : i32
      %dma_wait3A_67 = arith.constant 0 : i32
      %dma_wait3A_68 = tpu.memref_slice %arg7[%dma_wait3A_66, %dma_wait3A_67] : memref<384x128xf32, #tpu.memory_space<vmem>> -> memref<128x128xf32, #tpu.memory_space<vmem>>
      %dma_wait3A_69 = arith.constant 0 : i32
      %dma_wait3A_70 = arith.constant 0 : i32
      %dma_wait3A_71 = tpu.memref_slice %arg2[%dma_wait3A_69, %dma_wait3A_70] : memref<500000x128xf32, #tpu.memory_space<hbm>> -> memref<128x128xf32, #tpu.memory_space<hbm>>
      tpu.wait_dma2 semaphore(%arg9 : memref<!tpu.dma_semaphore, #tpu.memory_space<semaphore_mem>>) src(%dma_wait3A_71 : memref<128x128xf32, #tpu.memory_space<hbm>>) dst(%dma_wait3A_68 : memref<128x128xf32, #tpu.memory_space<vmem>>)
      %iota3A = tpu.iota {dimensions = array<i32: 0>} : vector<16xi32>
      %mul3A_72 = arith.constant 128 : i32
      %mul3A_73 = arith.muli %rem3A_49, %mul3A_72 : i32
      %add3A_74 = arith.constant 0 : i32
      %add3A_75 = arith.addi %mul3A_73, %add3A_74 : i32
      %add3A_76 = vector.broadcast %add3A_75 : i32 to vector<16xi32>
      %add3A_77 = arith.addi %iota3A, %add3A_76 : vector<16xi32>
      %mul3A_78 = arith.constant 128 : i32
      %mul3A_79 = arith.muli %rem3A_49, %mul3A_78 : i32
      %add3A_80 = arith.constant 16 : i32
      %add3A_81 = arith.addi %mul3A_79, %add3A_80 : i32
      %add3A_82 = vector.broadcast %add3A_81 : i32 to vector<16xi32>
      %add3A_83 = arith.addi %iota3A, %add3A_82 : vector<16xi32>
      %mul3A_84 = arith.constant 128 : i32
      %mul3A_85 = arith.muli %rem3A_49, %mul3A_84 : i32
      %add3A_86 = arith.constant 32 : i32
      %add3A_87 = arith.addi %mul3A_85, %add3A_86 : i32
      %add3A_88 = vector.broadcast %add3A_87 : i32 to vector<16xi32>
      %add3A_89 = arith.addi %iota3A, %add3A_88 : vector<16xi32>
      %mul3A_90 = arith.constant 128 : i32
      %mul3A_91 = arith.muli %rem3A_49, %mul3A_90 : i32
      %add3A_92 = arith.constant 48 : i32
      %add3A_93 = arith.addi %mul3A_91, %add3A_92 : i32
      %add3A_94 = vector.broadcast %add3A_93 : i32 to vector<16xi32>
      %add3A_95 = arith.addi %iota3A, %add3A_94 : vector<16xi32>
      %mul3A_96 = arith.constant 128 : i32
      %mul3A_97 = arith.muli %rem3A_49, %mul3A_96 : i32
      %add3A_98 = arith.constant 64 : i32
      %add3A_99 = arith.addi %mul3A_97, %add3A_98 : i32
      %add3A_100 = vector.broadcast %add3A_99 : i32 to vector<16xi32>
      %add3A_101 = arith.addi %iota3A, %add3A_100 : vector<16xi32>
      %mul3A_102 = arith.constant 128 : i32
      %mul3A_103 = arith.muli %rem3A_49, %mul3A_102 : i32
      %add3A_104 = arith.constant 80 : i32
      %add3A_105 = arith.addi %mul3A_103, %add3A_104 : i32
      %add3A_106 = vector.broadcast %add3A_105 : i32 to vector<16xi32>
      %add3A_107 = arith.addi %iota3A, %add3A_106 : vector<16xi32>
      %mul3A_108 = arith.constant 128 : i32
      %mul3A_109 = arith.muli %rem3A_49, %mul3A_108 : i32
      %add3A_110 = arith.constant 96 : i32
      %add3A_111 = arith.addi %mul3A_109, %add3A_110 : i32
      %add3A_112 = vector.broadcast %add3A_111 : i32 to vector<16xi32>
      %add3A_113 = arith.addi %iota3A, %add3A_112 : vector<16xi32>
      %mul3A_114 = arith.constant 128 : i32
      %mul3A_115 = arith.muli %rem3A_49, %mul3A_114 : i32
      %add3A_116 = arith.constant 112 : i32
      %add3A_117 = arith.addi %mul3A_115, %add3A_116 : i32
      %add3A_118 = vector.broadcast %add3A_117 : i32 to vector<16xi32>
      %add3A_119 = arith.addi %iota3A, %add3A_118 : vector<16xi32>
      %mul3A_120 = arith.constant 128 : i32
      %mul3A_121 = arith.muli %scan3A_48, %mul3A_120 : i32
      %add3A_122 = arith.constant 0 : i32
      %add3A_123 = arith.addi %mul3A_121, %add3A_122 : i32
      %get3A = arith.index_cast %add3A_123 : i32 to index
      %get3A_124 = tpu.vector_load %arg6[%get3A] {strides = array<i32>} : memref<25600xi32, #tpu.memory_space<vmem>>, vector<16xi32>,
      %mul3A_125 = arith.constant 128 : i32
      %mul3A_126 = arith.muli %scan3A_48, %mul3A_125 : i32
      %add3A_127 = arith.constant 16 : i32
      %add3A_128 = arith.addi %mul3A_126, %add3A_127 : i32
      %get3A_129 = arith.index_cast %add3A_128 : i32 to index
      %get3A_130 = tpu.vector_load %arg6[%get3A_129] {strides = array<i32>} : memref<25600xi32, #tpu.memory_space<vmem>>, vector<16xi32>,
      %mul3A_131 = arith.constant 128 : i32
      %mul3A_132 = arith.muli %scan3A_48, %mul3A_131 : i32
      %add3A_133 = arith.constant 32 : i32
      %add3A_134 = arith.addi %mul3A_132, %add3A_133 : i32
      %get3A_135 = arith.index_cast %add3A_134 : i32 to index
      %get3A_136 = tpu.vector_load %arg6[%get3A_135] {strides = array<i32>} : memref<25600xi32, #tpu.memory_space<vmem>>, vector<16xi32>,
      %mul3A_137 = arith.constant 128 : i32
      %mul3A_138 = arith.muli %scan3A_48, %mul3A_137 : i32
      %add3A_139 = arith.constant 48 : i32
      %add3A_140 = arith.addi %mul3A_138, %add3A_139 : i32
      %get3A_141 = arith.index_cast %add3A_140 : i32 to index
      %get3A_142 = tpu.vector_load %arg6[%get3A_141] {strides = array<i32>} : memref<25600xi32, #tpu.memory_space<vmem>>, vector<16xi32>,
      %mul3A_143 = arith.constant 128 : i32
      %mul3A_144 = arith.muli %scan3A_48, %mul3A_143 : i32
      %add3A_145 = arith.constant 64 : i32
      %add3A_146 = arith.addi %mul3A_144, %add3A_145 : i32
      %get3A_147 = arith.index_cast %add3A_146 : i32 to index
      %get3A_148 = tpu.vector_load %arg6[%get3A_147] {strides = array<i32>} : memref<25600xi32, #tpu.memory_space<vmem>>, vector<16xi32>,
      %mul3A_149 = arith.constant 128 : i32
      %mul3A_150 = arith.muli %scan3A_48, %mul3A_149 : i32
      %add3A_151 = arith.constant 80 : i32
      %add3A_152 = arith.addi %mul3A_150, %add3A_151 : i32
      %get3A_153 = arith.index_cast %add3A_152 : i32 to index
      %get3A_154 = tpu.vector_load %arg6[%get3A_153] {strides = array<i32>} : memref<25600xi32, #tpu.memory_space<vmem>>, vector<16xi32>,
      %mul3A_155 = arith.constant 128 : i32
      %mul3A_156 = arith.muli %scan3A_48, %mul3A_155 : i32
      %add3A_157 = arith.constant 96 : i32
      %add3A_158 = arith.addi %mul3A_156, %add3A_157 : i32
      %get3A_159 = arith.index_cast %add3A_158 : i32 to index
      %get3A_160 = tpu.vector_load %arg6[%get3A_159] {strides = array<i32>} : memref<25600xi32, #tpu.memory_space<vmem>>, vector<16xi32>,
      %mul3A_161 = arith.constant 128 : i32
      %mul3A_162 = arith.muli %scan3A_48, %mul3A_161 : i32
      %add3A_163 = arith.constant 112 : i32
      %add3A_164 = arith.addi %mul3A_162, %add3A_163 : i32
      %get3A_165 = arith.index_cast %add3A_164 : i32 to index
      %get3A_166 = tpu.vector_load %arg6[%get3A_165] {strides = array<i32>} : memref<25600xi32, #tpu.memory_space<vmem>>, vector<16xi32>,
      %add3A_167 = arith.constant 0 : i32
      %add3A_168 = vector.broadcast %add3A_167 : i32 to vector<16xi32>
      %add3A_169 = arith.addi %iota3A, %add3A_168 : vector<16xi32>
      %add3A_170 = arith.constant 16 : i32
      %add3A_171 = vector.broadcast %add3A_170 : i32 to vector<16xi32>
      %add3A_172 = arith.addi %iota3A, %add3A_171 : vector<16xi32>
      %add3A_173 = arith.constant 32 : i32
      %add3A_174 = vector.broadcast %add3A_173 : i32 to vector<16xi32>
      %add3A_175 = arith.addi %iota3A, %add3A_174 : vector<16xi32>
      %add3A_176 = arith.constant 48 : i32
      %add3A_177 = vector.broadcast %add3A_176 : i32 to vector<16xi32>
      %add3A_178 = arith.addi %iota3A, %add3A_177 : vector<16xi32>
      %add3A_179 = arith.constant 64 : i32
      %add3A_180 = vector.broadcast %add3A_179 : i32 to vector<16xi32>
      %add3A_181 = arith.addi %iota3A, %add3A_180 : vector<16xi32>
      %add3A_182 = arith.constant 80 : i32
      %add3A_183 = vector.broadcast %add3A_182 : i32 to vector<16xi32>
      %add3A_184 = arith.addi %iota3A, %add3A_183 : vector<16xi32>
      %add3A_185 = arith.constant 96 : i32
      %add3A_186 = vector.broadcast %add3A_185 : i32 to vector<16xi32>
      %add3A_187 = arith.addi %iota3A, %add3A_186 : vector<16xi32>
      %add3A_188 = arith.constant 112 : i32
      %add3A_189 = vector.broadcast %add3A_188 : i32 to vector<16xi32>
      %add3A_190 = arith.addi %iota3A, %add3A_189 : vector<16xi32>
      %parallel_loop3A_191 = arith.constant 0 : i32
      %parallel_loop3A_192 = arith.constant 64 : i32
      %parallel_loop3A_193 = arith.constant 1 : i32
      scf.for %parallel_loop3A_212 = %parallel_loop3A_191 to %parallel_loop3A_192 step %parallel_loop3A_193  : i32 {
        %parallel_loop3A_213 = vector.broadcast %parallel_loop3A_212 : i32 to vector<16xi32>
        %parallel_loop3A_214 = arith.addi %iota3A, %parallel_loop3A_213 : vector<16xi32>
        %parallel_loop3A_215 = arith.constant 63 : i32
        %parallel_loop3A_216 = vector.broadcast %parallel_loop3A_215 : i32 to vector<16xi32>
        %parallel_loop3A_217 = arith.andi %parallel_loop3A_214, %parallel_loop3A_216 : vector<16xi32>
        %parallel_loop3A_218 = arith.constant 64 : i32
        %parallel_loop3A_219 = arith.muli %rem3A_51, %parallel_loop3A_218 : i32
        %parallel_loop3A_220 = vector.broadcast %parallel_loop3A_219 : i32 to vector<16xi32>
        %parallel_loop3A_221 = arith.addi %parallel_loop3A_217, %parallel_loop3A_220 : vector<16xi32>
        %parallel_loop3A_222 = arith.addi %get3A_124, %parallel_loop3A_217 : vector<16xi32>
        %parallel_loop3A_223 = tpu.vector_load_idx %arg7[%add3A_77, %parallel_loop3A_222] : memref<384x128xf32, #tpu.memory_space<vmem>>[vector<16xi32>, vector<16xi32>], vector<16xf32>,
        tpu.vector_store_idx %arg8[%parallel_loop3A_221, %add3A_169], %parallel_loop3A_223 : memref<128x128xf32, #tpu.memory_space<vmem>>[vector<16xi32>, vector<16xi32>], vector<16xf32>,
        %parallel_loop3A_224 = arith.addi %get3A_130, %parallel_loop3A_217 : vector<16xi32>
        %parallel_loop3A_225 = tpu.vector_load_idx %arg7[%add3A_83, %parallel_loop3A_224] : memref<384x128xf32, #tpu.memory_space<vmem>>[vector<16xi32>, vector<16xi32>], vector<16xf32>,
        tpu.vector_store_idx %arg8[%parallel_loop3A_221, %add3A_172], %parallel_loop3A_225 : memref<128x128xf32, #tpu.memory_space<vmem>>[vector<16xi32>, vector<16xi32>], vector<16xf32>,
        %parallel_loop3A_226 = arith.addi %get3A_136, %parallel_loop3A_217 : vector<16xi32>
        %parallel_loop3A_227 = tpu.vector_load_idx %arg7[%add3A_89, %parallel_loop3A_226] : memref<384x128xf32, #tpu.memory_space<vmem>>[vector<16xi32>, vector<16xi32>], vector<16xf32>,
        tpu.vector_store_idx %arg8[%parallel_loop3A_221, %add3A_175], %parallel_loop3A_227 : memref<128x128xf32, #tpu.memory_space<vmem>>[vector<16xi32>, vector<16xi32>], vector<16xf32>,
        %parallel_loop3A_228 = arith.addi %get3A_142, %parallel_loop3A_217 : vector<16xi32>
        %parallel_loop3A_229 = tpu.vector_load_idx %arg7[%add3A_95, %parallel_loop3A_228] : memref<384x128xf32, #tpu.memory_space<vmem>>[vector<16xi32>, vector<16xi32>], vector<16xf32>,
        tpu.vector_store_idx %arg8[%parallel_loop3A_221, %add3A_178], %parallel_loop3A_229 : memref<128x128xf32, #tpu.memory_space<vmem>>[vector<16xi32>, vector<16xi32>], vector<16xf32>,
        %parallel_loop3A_230 = arith.addi %get3A_148, %parallel_loop3A_217 : vector<16xi32>
        %parallel_loop3A_231 = tpu.vector_load_idx %arg7[%add3A_101, %parallel_loop3A_230] : memref<384x128xf32, #tpu.memory_space<vmem>>[vector<16xi32>, vector<16xi32>], vector<16xf32>,
        tpu.vector_store_idx %arg8[%parallel_loop3A_221, %add3A_181], %parallel_loop3A_231 : memref<128x128xf32, #tpu.memory_space<vmem>>[vector<16xi32>, vector<16xi32>], vector<16xf32>,
        %parallel_loop3A_232 = arith.addi %get3A_154, %parallel_loop3A_217 : vector<16xi32>
        %parallel_loop3A_233 = tpu.vector_load_idx %arg7[%add3A_107, %parallel_loop3A_232] : memref<384x128xf32, #tpu.memory_space<vmem>>[vector<16xi32>, vector<16xi32>], vector<16xf32>,
        tpu.vector_store_idx %arg8[%parallel_loop3A_221, %add3A_184], %parallel_loop3A_233 : memref<128x128xf32, #tpu.memory_space<vmem>>[vector<16xi32>, vector<16xi32>], vector<16xf32>,
        %parallel_loop3A_234 = arith.addi %get3A_160, %parallel_loop3A_217 : vector<16xi32>
        %parallel_loop3A_235 = tpu.vector_load_idx %arg7[%add3A_113, %parallel_loop3A_234] : memref<384x128xf32, #tpu.memory_space<vmem>>[vector<16xi32>, vector<16xi32>], vector<16xf32>,
        tpu.vector_store_idx %arg8[%parallel_loop3A_221, %add3A_187], %parallel_loop3A_235 : memref<128x128xf32, #tpu.memory_space<vmem>>[vector<16xi32>, vector<16xi32>], vector<16xf32>,
        %parallel_loop3A_236 = arith.addi %get3A_166, %parallel_loop3A_217 : vector<16xi32>
        %parallel_loop3A_237 = tpu.vector_load_idx %arg7[%add3A_119, %parallel_loop3A_236] : memref<384x128xf32, #tpu.memory_space<vmem>>[vector<16xi32>, vector<16xi32>], vector<16xf32>,
        tpu.vector_store_idx %arg8[%parallel_loop3A_221, %add3A_190], %parallel_loop3A_237 : memref<128x128xf32, #tpu.memory_space<vmem>>[vector<16xi32>, vector<16xi32>], vector<16xf32>,
      } {sc.loop_unroll_factor = 16 : i64, sc.parallel_access}
      %mul3A_194 = arith.constant 200 : i32
      %mul3A_195 = arith.muli %add3A, %mul3A_194 : i32
      %add3A_196 = arith.addi %mul3A_195, %scan3A_48 : i32
      %div3A = arith.constant 32 : i32
      %div3A_197 = arith.divsi %add3A_196, %div3A : i32
      %rem3A_198 = arith.constant 32 : i32
      %rem3A_199 = arith.remsi %add3A_196, %rem3A_198 : i32
      %mul3A_200 = arith.constant 128 : i32
      %mul3A_201 = arith.muli %rem3A_199, %mul3A_200 : i32
      %mul3A_202 = arith.constant 64 : i32
      %mul3A_203 = arith.muli %rem3A_51, %mul3A_202 : i32
      %mul3A_204 = arith.constant 64 : i32
      %mul3A_205 = arith.muli %div3A_197, %mul3A_204 : i32
      %dma_start3A_206 = arith.constant 0 : i32
      %dma_start3A_207 = tpu.memref_slice %arg8[%mul3A_203, %dma_start3A_206] : memref<128x128xf32, #tpu.memory_space<vmem>> -> memref<64x128xf32, #tpu.memory_space<vmem>>
      %dma_start3A_208 = tpu.memref_slice %arg4[%mul3A_205, %mul3A_201] : memref<12800x4096xf32, #tpu.memory_space<hbm>> -> memref<64x128xf32, #tpu.memory_space<hbm>>
      %dma_start3A_209 = tpu.memref_slice %arg4[%mul3A_205, %mul3A_201] : memref<12800x4096xf32, #tpu.memory_space<hbm>> -> memref<64x128xf32, #tpu.memory_space<hbm>>
      %dma_start3A_210 = arith.constant 0 : i32
      %dma_start3A_211 = tpu.memref_slice %arg8[%mul3A_203, %dma_start3A_210] : memref<128x128xf32, #tpu.memory_space<vmem>> -> memref<64x128xf32, #tpu.memory_space<vmem>>
      tpu.enqueue_dma source(%dma_start3A_211 : memref<64x128xf32, #tpu.memory_space<vmem>>) target(%dma_start3A_209 : memref<64x128xf32, #tpu.memory_space<hbm>>) target_semaphore(%arg10 : memref<!tpu.dma_semaphore, #tpu.memory_space<semaphore_mem>>)
    }
    %scan3A_24 = arith.constant 200 : i32
    %dma_wait3A = arith.constant 0 : i32
    %dma_wait3A_25 = arith.constant 0 : i32
    %dma_wait3A_26 = tpu.memref_slice %arg8[%dma_wait3A, %dma_wait3A_25] : memref<128x128xf32, #tpu.memory_space<vmem>> -> memref<64x128xf32, #tpu.memory_space<vmem>>
    %dma_wait3A_27 = arith.constant 0 : i32
    %dma_wait3A_28 = arith.constant 0 : i32
    %dma_wait3A_29 = tpu.memref_slice %arg4[%dma_wait3A_27, %dma_wait3A_28] : memref<12800x4096xf32, #tpu.memory_space<hbm>> -> memref<64x128xf32, #tpu.memory_space<hbm>>
    %dma_wait3A_30 = arith.constant 0 : i32
    %dma_wait3A_31 = arith.constant 0 : i32
    %dma_wait3A_32 = tpu.memref_slice %arg4[%dma_wait3A_30, %dma_wait3A_31] : memref<12800x4096xf32, #tpu.memory_space<hbm>> -> memref<64x128xf32, #tpu.memory_space<hbm>>
    %dma_wait3A_33 = arith.constant 0 : i32
    %dma_wait3A_34 = arith.constant 0 : i32
    %dma_wait3A_35 = tpu.memref_slice %arg8[%dma_wait3A_33, %dma_wait3A_34] : memref<128x128xf32, #tpu.memory_space<vmem>> -> memref<64x128xf32, #tpu.memory_space<vmem>>
    tpu.wait_dma2 semaphore(%arg10 : memref<!tpu.dma_semaphore, #tpu.memory_space<semaphore_mem>>) src(%dma_wait3A_35 : memref<64x128xf32, #tpu.memory_space<vmem>>) dst(%dma_wait3A_32 : memref<64x128xf32, #tpu.memory_space<hbm>>)
    %dma_wait3A_36 = arith.constant 0 : i32
    %dma_wait3A_37 = arith.constant 0 : i32
    %dma_wait3A_38 = tpu.memref_slice %arg8[%dma_wait3A_36, %dma_wait3A_37] : memref<128x128xf32, #tpu.memory_space<vmem>> -> memref<64x128xf32, #tpu.memory_space<vmem>>
    %dma_wait3A_39 = arith.constant 0 : i32
    %dma_wait3A_40 = arith.constant 0 : i32
    %dma_wait3A_41 = tpu.memref_slice %arg4[%dma_wait3A_39, %dma_wait3A_40] : memref<12800x4096xf32, #tpu.memory_space<hbm>> -> memref<64x128xf32, #tpu.memory_space<hbm>>
    %dma_wait3A_42 = arith.constant 0 : i32
    %dma_wait3A_43 = arith.constant 0 : i32
    %dma_wait3A_44 = tpu.memref_slice %arg4[%dma_wait3A_42, %dma_wait3A_43] : memref<12800x4096xf32, #tpu.memory_space<hbm>> -> memref<64x128xf32, #tpu.memory_space<hbm>>
    %dma_wait3A_45 = arith.constant 0 : i32
    %dma_wait3A_46 = arith.constant 0 : i32
    %dma_wait3A_47 = tpu.memref_slice %arg8[%dma_wait3A_45, %dma_wait3A_46] : memref<128x128xf32, #tpu.memory_space<vmem>> -> memref<64x128xf32, #tpu.memory_space<vmem>>
    tpu.wait_dma2 semaphore(%arg10 : memref<!tpu.dma_semaphore, #tpu.memory_space<semaphore_mem>>) src(%dma_wait3A_47 : memref<64x128xf32, #tpu.memory_space<vmem>>) dst(%dma_wait3A_44 : memref<64x128xf32, #tpu.memory_space<hbm>>)
    return
  }
}

</mosaic_0001>

<sc_bundles>
// kernel: kernel.3.cloned.1.call-start
scs
__scs_entry_jumppad:
0x0: {  	(pc) =	sbr.rel $0x88, $3  }
0x1: {  	(tag) =	ssettag $0x0;
	lr =	simm.s32 $0x1  }
0x2: {  	[smem:$0x3F9F] =	sst lr;
	_ =	strace $0xD0000000  }
0x3: {  	_ = 	snop  }
0x4: {  	_ = 	snop  }
0x5: {  	_ = 	snop  }
0x6: {  	_ = 	snop  }
0x7: {  	_ = 	snop  }
__scs_overlays_trampoline_lowered:
0x8: {  	[smem:$0x3FAE] =	sst s0  }
0x9: {  	[smem:$0x3FAF] =	sst s1  }
0xa: {  	[smem:$0x3FB0] =	sst s2  }
0xb: {  	[smem:$0x3FB1] =	sst s3  }
0xc: {  	[smem:$0x3FB2] =	sst s4  }
0xd: {  	[smem:$0x3FB3] =	sst s5  }
0xe: {  	[smem:$0x3FB4] =	sst s6  }
0xf: {  	[smem:$0x3FB5] =	sst s7  }
0x10: {  	[smem:$0x3FB6] =	sst s8  }
0x11: {  	[smem:$0x3FB7] =	sst s9;
	s0 =	simm.s32 @!p0 $0x0  }
0x12: {  	s1 =	sld [smem:$0x3F9D];
	s0 =	simm.s32 @p0 $0x1  }
0x13: {  	[smem:$0x3FB8] =	sst s0;
	s0 =	simm.s32 @!p1 $0x0  }
0x14: {  	s2 =	sld [smem:$0x3F9C];
	s0 =	simm.s32 @p1 $0x1  }
0x15: {  	[smem:$0x3FB9] =	sst s0;
	s0 =	simm.s32 @!p2 $0x0  }
0x16: {  	s3 =	sld [smem:$0x3FDB];
	s0 =	simm.s32 @p2 $0x1  }
0x17: {  	s4 =	simm.s32 $0x1BF5;
	[smem:$0x3FBB] =	sst s0  }
0x18: {  	s0 =	sld [smem:$0x3F9E];
	_ =	swait.ge [sflag:s4], $0x0  }
0x19: {  	s7 =	sld [smem:$0x3F9F]  }
0x1a: {  	s8 =	sadd.s32 $0xFFFFE003, lr  }
0x1b: {  	s9 =	sadd.s32 $0xFFFFFEF7, lr;
	s5 =	simm.s32 $0xFFFFFFFF;
	p2 =	slt.u32 s8, $0xFFFFF086  }
0x1c: {  	p1 =	slt.u32 s9, $0xF7A;
	s5 =	simm.s32 @!p2 $0x0  }
0x1d: {  	s5 =	simm.s32 @p1 $0x1;
	p0 =	seq.s32 s7, s2  }
0x1e: {  	s7 =	smul.u32 @!p0 $0xF7A, s2;
	p2 =	seq.s32 @!p0 s5, $0x0  }
0x1f: {  	s9 =	smul.u32 $0xF7A, s1;
	s8 =	simm.s32 @!p0 $0x1BF5;
	p2 =	por !p2, p0  }
0x20: {  	[sflag:s8] =	ssyncset.s32 @!p0 $0xFFFFF086;
	s6 =	sadd.s32 @!p0 s3, s7;
	s7 =	simm.s32 @!p0 $0x108  }
0x21: {  	s3 =	sadd.s32 s3, s9;
	s6 =	sadd.s32 @!p0 $0x88, s6;
	s7 =	simm.s32 @p2 $0x1082  }
0x22: {  	[simem:s7], [sflag:s8] =	dma.local @!p0 [hbm:s6], $0xF7A  }
0x23: {  	s9 =	sor.u32 $0xD0000000, s2;
	s6 =	simm.s32 $0x108;
	_ =	swait.ge @!p0 [sflag:s8], $0x0  }
0x24: {  	s3 =	sadd.s32 $0x88, s3;
	s6 =	simm.s32 @!p1 $0x1082;
	[sflag:s4] =	ssyncset.s32 $0xFFFFF086  }
0x25: {  	[simem:s6], [sflag:s4] =	dma.local [hbm:s3], $0xF7A  }
0x26: {  	[smem:$0x3F9F] =	sst s1;
	(tag) =	ssettag s2;
	_ =	strace s9  }
0x27: {  	s1 =	sld [smem:$0x3FAF]  }
0x28: {  	s2 =	sld [smem:$0x3FB0]  }
0x29: {  	s4 =	sld [smem:$0x3FB2]  }
0x2a: {  	p0 =	seq.s32 s5, $0x0;
	s5 =	sld [smem:$0x3FB3]  }
0x2b: {  	s6 =	sld [smem:$0x3FB4]  }
0x2c: {  	s7 =	sld [smem:$0x3FB5]  }
0x2d: {  	s3 =	simm.s32 $0x108;
	s8 =	sld [smem:$0x3FB6]  }
0x2e: {  	s3 =	simm.s32 @!p0 $0x1082;
	s9 =	sld [smem:$0x3FB7]  }
0x2f: {  	lr =	sadd.s32 s0, s3;
	s0 =	sld [smem:$0x3FAE]  }
0x30: {  	s3 =	sld [smem:$0x3FB1]  }
0x31: {  	[smem:$0x3FBA] =	sst s10  }
0x32: {  	s10 =	sld [smem:$0x3FB8];
	_ =	sdelay $0x3  }
0x33: {  	p0 =	seq.s32 s10, $0x1;
	s10 =	sld [smem:$0x3FBA];
	_ =	sdelay $0x3  }
0x34: {  	[smem:$0x3FBA] =	sst s10  }
0x35: {  	s10 =	sld [smem:$0x3FB9];
	_ =	sdelay $0x3  }
0x36: {  	p1 =	seq.s32 s10, $0x1;
	s10 =	sld [smem:$0x3FBA];
	_ =	sdelay $0x3  }
0x37: {  	[smem:$0x3FBA] =	sst s10  }
0x38: {  	s10 =	sld [smem:$0x3FBB]  }
0x39: {  	_ = 	snop;
	(pc) =	sbr.ind lr, $3  }
0x3a: {  	_ = 	snop  }
0x3b: {  	_ = 	snop  }
0x3c: {  	p2 =	seq.s32 s10, $0x1;
	s10 =	sld [smem:$0x3FBA]  }
0x3d: {  	_ =	shalt  }
0x3e: {  	_ =	shalt  }
0x3f: {  	_ =	shalt  }
0x40: {  	_ =	shalt  }
0x41: {  	_ =	shalt  }
0x42: {  	_ =	shalt  }
0x43: {  	_ =	shalt  }
0x44: {  	_ =	shalt  }
0x45: {  	_ =	shalt  }
0x46: {  	_ =	shalt  }
0x47: {  	_ =	shalt  }
0x48: {  	_ =	shalt  }
0x49: {  	_ =	shalt  }
0x4a: {  	_ =	shalt  }
0x4b: {  	_ =	shalt  }
0x4c: {  	_ =	shalt  }
0x4d: {  	_ =	shalt  }
0x4e: {  	_ =	shalt  }
0x4f: {  	_ =	shalt  }
0x50: {  	_ =	shalt  }
0x51: {  	_ =	shalt  }
0x52: {  	_ =	shalt  }
0x53: {  	_ =	shalt  }
0x54: {  	_ =	shalt  }
0x55: {  	_ =	shalt  }
0x56: {  	_ =	shalt  }
0x57: {  	_ =	shalt  }
0x58: {  	_ =	shalt  }
0x59: {  	_ =	shalt  }
0x5a: {  	_ =	shalt  }
0x5b: {  	_ =	shalt  }
0x5c: {  	_ =	shalt  }
0x5d: {  	_ =	shalt  }
0x5e: {  	_ =	shalt  }
0x5f: {  	_ =	shalt  }
0x60: {  	_ =	shalt  }
0x61: {  	_ =	shalt  }
0x62: {  	_ =	shalt  }
0x63: {  	_ =	shalt  }
0x64: {  	_ =	shalt  }
0x65: {  	_ =	shalt  }
0x66: {  	_ =	shalt  }
0x67: {  	_ =	shalt  }
0x68: {  	_ =	shalt  }
0x69: {  	_ =	shalt  }
0x6a: {  	_ =	shalt  }
0x6b: {  	_ =	shalt  }
0x6c: {  	_ =	shalt  }
0x6d: {  	_ =	shalt  }
0x6e: {  	_ =	shalt  }
0x6f: {  	_ =	shalt  }
0x70: {  	_ =	shalt  }
0x71: {  	_ =	shalt  }
0x72: {  	_ =	shalt  }
0x73: {  	_ =	shalt  }
0x74: {  	_ =	shalt  }
0x75: {  	_ =	shalt  }
0x76: {  	_ =	shalt  }
0x77: {  	_ =	shalt  }
0x78: {  	_ =	shalt  }
0x79: {  	_ =	shalt  }
0x7a: {  	_ =	shalt  }
0x7b: {  	_ =	shalt  }
0x7c: {  	_ =	shalt  }
0x7d: {  	_ =	shalt  }
0x7e: {  	_ =	shalt  }
0x7f: {  	_ =	shalt  }
0x80: {  	_ =	shalt  }
0x81: {  	_ =	shalt  }
0x82: {  	_ =	shalt  }
0x83: {  	_ =	shalt  }
0x84: {  	_ =	shalt  }
0x85: {  	_ =	shalt  }
0x86: {  	_ =	shalt  }
0x87: {  	_ =	shalt  }
.Lfunc_end0:
.L_simem_size_0:
called_computation_lowered:
.L_overlay_start_0:
0x88: {  	s2 =	sld [smem:$0x3FD9]  }
0x89: {  	s3 =	sld [smem:$0x3FFE];
	_ =	sdelay $0x1  }
0x8a: {  	s1 =	srdreg.scid  }
0x8b: {  	s0 =	sand.u32 $0x1, s1  }
0x8c: {  	s17 =	sshll.u32 s0, $0xA;
	s2 =	sadd.s32 s3, s2  }
0x8d: {  	s2 =	sadd.s32 s2, s17  }
0x8e: {  	[smem:$0x3FC6] =	sst s2  }
0x8f: {  	_ = 	snop  }
0x90: {  	s2 =	sld [smem:$0x3FD0];
	(tm) =	ssettm $0x1  }
0x91: {  	s18 =	sld [smem:$0x3FFB];
	_ =	sdelay $0x3  }
0x92: {  	_ =	strace s18  }
0x93: {  	s3 =	sld [smem:$0x3FFC];
	_ =	sdelay $0x3  }
0x94: {  	_ =	strace s3  }
0x95: {  	s3 =	sld [smem:$0x3FFD];
	_ =	sdelay $0x3  }
0x96: {  	_ =	strace s3  }
0x97: {  	_ =	strace $0x8FFFFFFF  }
0x98: {  	s19 =	sld [smem:$0x3FDB];
	_ =	sdelay $0x1  }
0x99: {  	s4 =	simm.s32 $_scs_section_size  }
0x9a: {  	s5 =	simm.s32 $_size__tile_overlayer_lowered;
	s6 =	simm.s32 $_tile_overlayer_lowered  }
0x9b: {  	s22 =	simm.s32 $0x1BFF;
	s21 =	sshll.u32 s6, $0x1;
	s3 =	sadd.s32 s4, s19  }
0x9c: {  	s7 =	simm.s32 $0x0;
	s20 =	sshll.u32 s5, $0x1;
	s5 =	sadd.s32 s21, s3  }
0x9d: {  	[timem:s7], [sflag:s22] =	dma.local [hbm:s5], s20  }
0x9e: {  	_ =	swait.ge [sflag:s22], s20  }
0x9f: {  	s4 =	ssub.s32 $0x0, s20;
	[sflag:s22] =	ssyncset.done $0x0  }
0xa0: {  	[sflag:s22] =	ssyncadd.s32 s4;
	_ =	sdelay $0x1  }
0xa1: {  	s23 =	simm.s32 $0x1B8B  }
0xa2: {  	_ =	swait.ge [sflag:s23], $0x1  }
0xa3: {  	[sflag:s23] =	ssyncset.done $0x0  }
0xa4: {  	s25 =	simm.s32 $0x1B8E;
	s24 =	sld [smem:$0x3FFE];
	[sflag:s23] =	ssyncadd.s32 $0xFFFFFFFF  }
0xa5: {  	s26 =	simm.s32 $execute0_lowered;
	[smem:$0x3FD2] =	sst s25  }
0xa6: {  	s5 =	sshll.u32 s26, $0x1;
	_ =	strace $0x80000046;
	[dreg:$0x1] =	wrdreg $0xFFFFFFFF  }
0xa7: {  	s28 =	simm.s32 $_size_execute0_lowered;
	s3 =	sadd.s32 s3, s5;
	[dreg:$0x0] =	wrdreg $0x0  }
0xa8: {  	s5 =	sshll.u32 s28, $0x1;
	[dreg:$0x2] =	wrdreg s3  }
0xa9: {  	[dreg:$0x3] =	wrdreg s5  }
0xaa: {  	[dreg:$0x4] =	wrdreg $0xC0  }
0xab: {  	_ =	task [dreg:s7], $0x5FFFF  }
0xac: {  	[dreg:$0x1] =	wrdreg $0xFFFFFFFF  }
0xad: {  	[dreg:$0x0] =	wrdreg $0x60  }
0xae: {  	[dreg:$0x2] =	wrdreg s24  }
0xaf: {  	[dreg:$0x3] =	wrdreg s2  }
0xb0: {  	[dreg:$0x4] =	wrdreg $0x9  }
0xb1: {  	_ =	task.clear_ibuf [dreg:s7], $0x5FFFF;
	_ =	strace $0x90000046  }
0xb2: {  	s29 =	simm.s32 $0x9;
	_ =	strace $0x80000048  }
0xb3: {  	_ =	swait.ge [sflag:s29], $0x1  }
0xb4: {  	[sflag:s29] =	ssyncadd.s32 $0xFFFFFFFF  }
0xb5: {  	_ =	strace $0x90000048  }
0xb6: {  	_ =	sfence  }
0xb7: {  	s30 =	sld [smem:$0x0];
	_ =	sdelay $0x2  }
0xb8: {  	s31 =	sshll.u32 s1, $0xD;
	s1 =	sshrl.u32 s1, $0x2  }
0xb9: {  	s3 =	sand.u32 $0x4000, s31;
	s1 =	sadd.s32 s1, s30  }
0xba: {  	s0 =	sor.u32 s3, s0;
	s1 =	sshll.u32 s1, $0x11  }
0xbb: {  	s0 =	sor.u32 s1, s0  }
0xbc: {  	s0 =	sadd.s32 $0x8F2B, s0  }
0xbd: {  	[sflag:s0] =	ssyncadd.remote.s32 $0x1  }
0xbe: {  	_ =	sfence.sel $0xFFFF  }
0xbf: {  	[dreg:$0x0] =	wrdreg $0xFFFFFFFF;
	(pc) =	sbr.abs _section_cstart, $3  }
0xc0: {  	[dreg:$0x1] =	wrdreg $0xFFFFFFFF  }
0xc1: {  	_ =	task.clear_ibuf [dreg:s7], $0x2FFFF;
	_ =	strace $0x9FFFFFFF  }
0xc2: {  	(tm) =	ssettm $0x7FFFFFFF  }
0xc3: {  	_ =	shalt  }
tec
execute0_lowered:
.L_overlay_start_1:
0x0: {  	(tag) =	ssettag $0x1  }
0x1: {  	s1 =	srdreg.scid  }
0x2: {  	s0 =	stileid.u32;
	s4 =	rddreg [dreg:$0x0]  }
0x3: {  	s2 =	rddreg [dreg:$0x1];
	s3 =	simm.s32 $0x0;
	s9 =	simm.s32 $0x80  }
0x4: {  	s10 =	simm.s32 $0xC800;
	s11 =	simm.s32 $0x10800;
	s12 =	simm.s32 $0x1  }
0x5: {  	v47 =	vlaneseq.u32;
	s13 =	simm.s32 $0x18800;
	s14 =	simm.s32 $0x400;
	s15 =	simm.s32 $0x8000  }
0x6: {  	s5 =	sand.u32 $0x1, s1;
	s31 =	sshll.u32 s0, $0x1;
	[smem:$0x7FF] =	sst s3;
	v44 =	vor.u32 $0x60, v47  }
0x7: {  	s1 =	rddreg [dreg:$0x2];
	v35 =	vor.u32 $0x70, v47;
	s6 =	sor.u32 s5, s31;
	_ =	strace $0x80000047;
	[tilespmem:$0x1FFC0] =	vst v44  }
0x8: {  	s16 =	simm.s32 $0x2;
	v8 =	vor.u32 $0x10, v47;
	s5 =	ssub.s32 $0x2, s5;
	[tilespmem:$0x1FFD0] =	vst v35;
	s7 =	smul.u32 $0xC80, s6  }
0x9: {  	s17 =	simm.s32 $0x0;
	v0 =	vmul.u32 $0x80, v47;
	v43 =	vor.u32 $0x50, v47;
	[tilespmem:$0x1FFE0] =	vst v8;
	s8 =	sshrl.u32 s5, $0x1;
	s6 =	smul.u32 $0xC8, s6  }
0xa: {  	[tilespmem:$0x1FFF0] =	vst v43;
	s8 =	ssub.s32 s5, s8;
	s7 =	sadd.s32 s7, s4;
	s4 =	sadd.s32 $0xF42A00, s4  }
0xb: {  	v48 =	vor.u32 $0x20, v47;
	v62 =	vor.u32 $0x30, v47;
	v49 =	vor.u32 $0x40, v47;
	[tilespmem:$0x1FFB0] =	vst v0;
	s5 =	sadd.s32 $0x600, s7;
	s7 =	smax.u32 s8, $0x1;
	s8 =	simm.s32 $0x3  }
.LBB2_1:
0xc: {  	[tilespmem:s3], [sflag:$0x3] =	stream.linear.gather [hbm4b:s5+s3], $0x6400, $0x38;
	[tilespmem:$0x1C800] =	vst v63  }
0xd: {  	_ =	swait.ge [sflag:s8], $0x6400  }
0xe: {  	[sflag:s8] =	ssyncset.done $0x0  }
0xf: {  	s18 =	simm.s32 $0x20;
	[sflag:s8] =	ssyncadd.s32 $0xFFFF9C00  }
0x10: {  	v1 =	vld [tilespmem:s18+$0x0];
	_ =	sdelay $0x3  }
0x11: {  	v12 =	vld [tilespmem:s18+$0x10]  }
0x12: {  	v10 =	vld [tilespmem:s18+$0xFFFFFFF0];
	v9 =	vshrl.u32 v1, $0x1;
	v1 =	vshll.u32 v1, $0x6  }
0x13: {  	[tilespmem:s18+$0x0] =	vst v9;
	v9 =	vand.u32 $0x40, v1;
	v1 =	vld [tilespmem:s18+$0xFFFFFFE0];
	_ =	sdelay $0x2  }
0x14: {  	s19 =	simm.s32 $0x6420;
	v13 =	vshrl.u32 v12, $0x1  }
0x15: {  	s21 =	simm.s32 $0x0;
	s22 =	simm.s32 $0x60;
	s20 =	simm.s32 $0x6420;
	v11 =	vshrl.u32 v10, $0x1;
	v10 =	vshll.u32 v10, $0x6;
	v12 =	vshll.u32 v12, $0x6;
	[tilespmem:s18+$0x10] =	vst v13  }
.LBB2_2:
0x16: {  	v13 =	vld [tilespmem:s22+$0x0];
	s21 =	sadd.s32 $0x4, s21;
	v14 =	vshrl.u32 v1, $0x1;
	[tilespmem:s18+$0xFFFFFFF0] =	vst v11;
	v10 =	vand.u32 $0x40, v10;
	v11 =	vand.u32 $0x40, v12;
	s19 =	sadd.s32 $0x40, s19  }
0x17: {  	v12 =	vld [tilespmem:s22+$0x10];
	p0 =	slt.u32 s21, $0x63C;
	[tilespmem:s18+$0xFFFFFFE0] =	vst v14;
	s18 =	smov.u32 s22  }
0x18: {  	v15 =	vshll.u32 v1, $0x6;
	v14 =	vld [tilespmem:s22+$0xFFFFFFF0];
	[tilespmem:s20+$0x0] =	vst v9  }
.Ltmp0:
0x19: {  	v9 =	vand.u32 $0x40, v15;
	v1 =	vld [tilespmem:s22+$0xFFFFFFE0];
	[tilespmem:s20+$0x10] =	vst v11;
	(pc) =	sbr.rel @p0 .LBB2_2-.Ltmp0, $4  }
0x1a: {  	[tilespmem:s20+$0xFFFFFFE0] =	vst v9  }
0x1b: {  	v9 =	vshrl.u32 v13, $0x1;
	v11 =	vshll.u32 v13, $0x6;
	[tilespmem:s20+$0xFFFFFFF0] =	vst v10;
	s20 =	smov.u32 s19  }
0x1c: {  	[tilespmem:s22+$0x0] =	vst v9;
	v9 =	vand.u32 $0x40, v11;
	v13 =	vshrl.u32 v12, $0x1  }
0x1d: {  	v12 =	vshll.u32 v12, $0x6;
	s22 =	sadd.s32 $0x40, s22;
	v11 =	vshrl.u32 v14, $0x1;
	v10 =	vshll.u32 v14, $0x6;
	[tilespmem:s18+$0x10] =	vst v13  }
0x1e: {  	[tilespmem:s18+$0xFFFFFFF0] =	vst v11  }
0x1f: {  	v13 =	vshrl.u32 v1, $0x1;
	[tilespmem:s20+$0x0] =	vst v9  }
0x20: {  	v11 =	vand.u32 $0x40, v12;
	[tilespmem:s18+$0xFFFFFFE0] =	vst v13  }
0x21: {  	v63 =	vshll.u32 v1, $0x6;
	v9 =	vand.u32 $0x40, v10;
	[tilespmem:s20+$0x10] =	vst v11  }
0x22: {  	v1 =	vand.u32 $0x40, v63;
	[tilespmem:s20+$0xFFFFFFF0] =	vst v9  }
0x23: {  	s18 =	simm.s32 $0x0;
	[tilespmem:s20+$0xFFFFFFE0] =	vst v1  }
0x24: {  	[tilespmem:s10], [sflag:$0x1] =	stream.indirect.gather [hbm4b:s4+s9], $0x80, s18, s9, $0xb8;
	[tilespmem:$0x1C800] =	vst v63  }
0x25: {  	_ = 	snop  }
0x26: {  	[tilespmem:s11], [sflag:$0x1] =	stream.indirect.gather [hbm4b:s4+s9], $0x80, s9, s9, $0xb8;
	[tilespmem:$0x1C800] =	vst v63  }
.LBB2_4:
0x27: {  	p0 =	slt.u32 s18, $0x2  }
0x28: {  	s19 =	simm.s32 @!p0 $0x2  }
0x29: {  	p1 =	sgt.u32 @!p0 s18, $0xC5;
	_ =	swait.ge @!p0 [sflag:s19], $0x2000  }
0x2a: {  	p1 =	por p0, !p1;
	[sflag:s19] =	ssyncset.done @!p0 $0x0  }
0x2b: {  	[sflag:s19] =	ssyncadd.s32 @!p0 $0xFFFFE000;
	s19 =	sadd.s32 @p1 $0x2, s18  }
0x2c: {  	s20 =	smul.u32 @p1 $0xAB, s19;
	_ =	sdelay $0x1  }
0x2d: {  	s20 =	sshrl.u32 @p1 s20, $0x9  }
0x2e: {  	s20 =	sand.u32 @p1 $0x7F, s20  }
0x2f: {  	s20 =	smul.u32 @p1 $0x3, s20;
	_ =	sdelay $0x1  }
0x30: {  	s20 =	ssub.s32 @p1 s19, s20  }
0x31: {  	s20 =	sand.u32 @p1 $0xFF, s20  }
0x32: {  	s19 =	sshll.u32 @p1 s19, $0x7;
	s20 =	sshll.u32 @p1 s20, $0xE  }
0x33: {  	s19 =	sand.u32 @p1 $0x3FFFFF80, s19;
	s20 =	sadd.s32 @p1 $0xC800, s20  }
0x34: {  	[tilespmem:s20], [sflag:$0x1] =	stream.indirect.gather @p1 [hbm4b:s4+s9], $0x80, s19, s9, $0xb8;
	[tilespmem:$0x1C800] =	vst v63  }
0x35: {  	_ =	swait.ge [sflag:s12], $0x4000  }
0x36: {  	s21 =	sshll.u32 s18, $0x7;
	[sflag:s12] =	ssyncset.done $0x0  }
0x37: {  	s23 =	smul.u32 $0xAB, s18;
	s21 =	sand.u32 $0x3FFFFF80, s21;
	[sflag:s12] =	ssyncadd.s32 $0xFFFFC000  }
0x38: {  	v0 =	vld [tilespmem:s21+$0x6400]  }
0x39: {  	s19 =	sshrl.u32 s23, $0x9;
	v45 =	vld [tilespmem:s21+$0x6410]  }
0x3a: {  	s19 =	sand.u32 $0x7F, s19;
	v46 =	vld [tilespmem:s21+$0x6420]  }
0x3b: {  	s19 =	smul.u32 $0x3, s19;
	v51 =	vld [tilespmem:s21+$0x6430]  }
0x3c: {  	v52 =	vld [tilespmem:s21+$0x6440]  }
0x3d: {  	s19 =	ssub.s32 s18, s19;
	v53 =	vld [tilespmem:s21+$0x6450];
	[tilespmem:$0x1FEA0] =	vst v0  }
0x3e: {  	v56 =	vld [tilespmem:s21+$0x6460];
	s19 =	sand.u32 $0xFF, s19;
	[tilespmem:$0x1FEB0] =	vst v45  }
0x3f: {  	v60 =	vld [tilespmem:s21+$0x6470];
	s19 =	sshll.u32 s19, $0x7;
	[tilespmem:$0x1FEC0] =	vst v46  }
0x40: {  	v55 =	vld [tilespmem:$0x1FFB0];
	s24 =	sor.u32 $0x10, s19;
	s25 =	sor.u32 $0x20, s19;
	[tilespmem:$0x1FED0] =	vst v51  }
0x41: {  	s22 =	sor.u32 $0x30, s19;
	s26 =	sor.u32 $0x40, s19;
	s28 =	sor.u32 $0x50, s19;
	[tilespmem:$0x1FEE0] =	vst v52  }
0x42: {  	v10 =	vmov s19;
	s29 =	sor.u32 $0x60, s19;
	s30 =	sor.u32 $0x70, s19;
	s19 =	sand.u32 $0x1, s18;
	[tilespmem:$0x1FEF0] =	vst v53  }
0x43: {  	s31 =	sshll.u32 s19, $0x6;
	[tilespmem:$0x1FF30] =	vst v56  }
0x44: {  	v1 =	vmov s24;
	v16 =	vshll.u32 v10, $0x7;
	v54 =	vmov s31;
	[tilespmem:$0x1FF70] =	vst v60  }
0x45: {  	v11 =	vmov s25;
	v1 =	vshll.u32 v1, $0x7;
	v2 =	vor.u32 v55, v16;
	[tilespmem:$0x1FF00] =	vst v54  }
0x46: {  	v12 =	vmov s22;
	v19 =	vshll.u32 v11, $0x7;
	[tilespmem:$0x1FF10] =	vst v2;
	v1 =	vor.u32 v55, v1  }
0x47: {  	v13 =	vmov s26;
	v20 =	vshll.u32 v12, $0x7;
	v57 =	vor.u32 v55, v19;
	[tilespmem:$0x1FF20] =	vst v1  }
0x48: {  	v14 =	vmov s28;
	v21 =	vshll.u32 v13, $0x7;
	v58 =	vor.u32 v55, v20;
	[tilespmem:$0x1FF40] =	vst v57  }
0x49: {  	v15 =	vmov s29;
	v23 =	vshll.u32 v14, $0x7;
	v59 =	vor.u32 v55, v21;
	[tilespmem:$0x1FF50] =	vst v58  }
0x4a: {  	v50 =	vmov s30;
	v24 =	vshll.u32 v15, $0x7;
	v61 =	vor.u32 v55, v23;
	[tilespmem:$0x1FF60] =	vst v59  }
0x4b: {  	v25 =	vshll.u32 v50, $0x7;
	v63 =	vor.u32 v55, v24;
	[tilespmem:$0x1FF80] =	vst v61  }
0x4c: {  	v0 =	vor.u32 v55, v25;
	[tilespmem:$0x1FF90] =	vst v63  }
0x4d: {  	s20 =	simm.s32 $0x0;
	[tilespmem:$0x1FFA0] =	vst v0  }
.LBB2_5:
0x4e: {  	v12 =	vld [tilespmem:$0x1FEA0]  }
0x4f: {  	v18 =	vld [tilespmem:$0x1FF00]  }
0x50: {  	v13 =	vld [tilespmem:$0x1FEB0]  }
0x51: {  	v14 =	vld [tilespmem:$0x1FEC0]  }
0x52: {  	v15 =	vld [tilespmem:$0x1FED0]  }
0x53: {  	v16 =	vld [tilespmem:$0x1FEE0]  }
0x54: {  	v17 =	vld [tilespmem:$0x1FEF0]  }
0x55: {  	v21 =	vld [tilespmem:$0x1FF30]  }
0x56: {  	v25 =	vld [tilespmem:$0x1FF70]  }
0x57: {  	v1 =	vor.u32 s20, v47;
	v9 =	vlaneseq.u32;
	s21 =	sadd.s32 $0x1, s20  }
0x58: {  	v58 =	vadd.s32 s21, v9;
	v26 =	vadd.s32 v12, v1  }
0x59: {  	v27 =	vor.u32 v18, v1;
	v33 =	vadd.s32 v13, v1;
	v36 =	vadd.s32 v14, v1  }
0x5a: {  	v40 =	vadd.s32 v15, v1;
	v46 =	vadd.s32 v16, v1;
	v52 =	vadd.s32 v17, v1  }
0x5b: {  	v31 =	vadd.s32 v21, v1;
	v1 =	vadd.s32 v25, v1;
	v28 =	vand.u32 $0xFFFFFF80, v26  }
0x5c: {  	v19 =	vld [tilespmem:$0x1FF10];
	v26 =	vand.u32 $0x7F, v26;
	v29 =	vshll.u32 v27, $0x7;
	v34 =	vand.u32 $0xFFFFFF80, v33  }
0x5d: {  	v27 =	vand.u32 $0x7F, v33;
	v38 =	vand.u32 $0xFFFFFF80, v36;
	v39 =	vand.u32 $0x7F, v36  }
0x5e: {  	v41 =	vand.u32 $0xFFFFFF80, v40;
	v42 =	vand.u32 $0x7F, v40;
	v50 =	vand.u32 $0xFFFFFF80, v46  }
0x5f: {  	v20 =	vld [tilespmem:$0x1FF20];
	v51 =	vand.u32 $0x7F, v46;
	v53 =	vand.u32 $0xFFFFFF80, v52;
	v55 =	vand.u32 $0xFFFFFF80, v31  }
0x60: {  	v22 =	vld [tilespmem:$0x1FF40];
	v31 =	vand.u32 $0x7F, v31;
	v57 =	vand.u32 $0xFFFFFF80, v1;
	v1 =	vand.u32 $0x7F, v1  }
0x61: {  	v7 =	vld [tilespmem:$0x1FF80];
	v33 =	vand.u32 $0x3F, v58;
	v28 =	vadd.s32 v19, v28;
	v45 =	vor.u32 v47, v29  }
0x62: {  	v23 =	vld [tilespmem:$0x1FF50];
	v30 =	vor.u32 v8, v29;
	v5 =	vor.u32 v48, v29;
	v36 =	vor.u32 v62, v29  }
0x63: {  	v24 =	vld [tilespmem:$0x1FF60];
	v0 =	vor.u32 v49, v29;
	v54 =	vor.u32 v43, v29;
	v59 =	vor.u32 v44, v29  }
0x64: {  	v10 =	vld [tilespmem:$0x1FF90];
	v61 =	vadd.s32 v12, v33;
	v4 =	vor.u32 v35, v29;
	v40 =	vadd.s32 v13, v33  }
0x65: {  	v37 =	vor.u32 v26, v28;
	v26 =	vadd.s32 v20, v34;
	v28 =	vand.u32 $0x7F, v52  }
0x66: {  	v63 =	vld [tilespmem:$0x1FFA0];
	v47 =	vor.u32 v27, v26;
	v26 =	vadd.s32 v22, v38;
	v27 =	vadd.s32 v7, v53  }
0x67: {  	s26 =	sadd.s32 $0x2, s20;
	v38 =	vor.u32 v39, v26;
	v26 =	vadd.s32 v23, v41;
	v41 =	vadd.s32 v14, v33  }
0x68: {  	v39 =	vadd.s32 s26, v9;
	v32 =	vor.u32 v42, v26;
	v26 =	vadd.s32 v24, v50  }
0x69: {  	v42 =	vor.u32 v28, v27;
	v28 =	vadd.s32 v10, v55;
	v46 =	vand.u32 $0xFFFFFF80, v41  }
0x6a: {  	v50 =	vand.u32 $0x7F, v41;
	v34 =	vor.u32 v51, v26;
	v56 =	vor.u32 v31, v28  }
0x6b: {  	v28 =	vadd.s32 v63, v57;
	v26 =	vor.u32 v18, v33;
	v31 =	vand.u32 $0xFFFFFF80, v40  }
0x6c: {  	v40 =	vand.u32 $0x7F, v40;
	v51 =	vadd.s32 v15, v33;
	v60 =	vor.u32 v1, v28  }
0x6d: {  	v28 =	vand.u32 $0xFFFFFF80, v61;
	v1 =	vand.u32 $0x7F, v61;
	v29 =	vshll.u32 v26, $0x7  }
0x6e: {  	[tilespmem:$0x1FE00] =	vst v56;
	v53 =	vand.u32 $0xFFFFFF80, v51;
	v55 =	vand.u32 $0x7F, v51;
	v56 =	vadd.s32 v16, v33  }
0x6f: {  	v11 =	vmovc v49;
	v51 =	vadd.s32 v21, v33;
	v35 =	vadd.s32 v19, v28;
	v49 =	vor.u32 v9, v29  }
0x70: {  	[tilespmem:$0x1FDF0] =	vst v54;
	v54 =	vor.u32 v8, v29;
	v61 =	vor.u32 v48, v29;
	v57 =	vand.u32 $0xFFFFFF80, v56  }
0x71: {  	[tilespmem:$0x1FE20] =	vst v60;
	v58 =	vand.u32 $0x7F, v56;
	v60 =	vadd.s32 v17, v33;
	v27 =	vor.u32 v62, v29  }
0x72: {  	[tilespmem:$0x1FE30] =	vst v4;
	v3 =	vand.u32 $0xFFFFFF80, v51;
	v4 =	vand.u32 $0x7F, v51;
	v33 =	vadd.s32 v25, v33  }
0x73: {  	[tilespmem:$0x1FDE0] =	vst v0;
	v1 =	vor.u32 v1, v35;
	v35 =	vadd.s32 v20, v31;
	v0 =	vand.u32 $0xFFFFFF80, v60  }
0x74: {  	v2 =	vand.u32 $0x7F, v60;
	v60 =	vld [tilespmem:$0x1FFD0];
	v52 =	vor.u32 v40, v35;
	v35 =	vadd.s32 v22, v46  }
0x75: {  	[tilespmem:$0x1FE10] =	vst v59;
	v31 =	vor.u32 v43, v29;
	v59 =	vor.u32 v50, v35;
	v35 =	vadd.s32 v23, v53  }
0x76: {  	v46 =	vor.u32 v11, v29;
	v53 =	vand.u32 $0xFFFFFF80, v33;
	v26 =	vor.u32 v55, v35  }
0x77: {  	v35 =	vadd.s32 v24, v57;
	v57 =	vand.u32 $0x3F, v39;
	v43 =	vadd.s32 v63, v53  }
0x78: {  	v28 =	vor.u32 v58, v35;
	v35 =	vadd.s32 v7, v0;
	v58 =	vor.u32 v18, v57  }
0x79: {  	v41 =	vor.u32 v2, v35;
	v35 =	vadd.s32 v10, v3;
	v0 =	vor.u32 v60, v29  }
0x7a: {  	v3 =	vadd.s32 v13, v57;
	v40 =	vor.u32 v4, v35;
	v35 =	vor.u32 v44, v29  }
0x7b: {  	v44 =	vadd.s32 v12, v57;
	[tilespmem:$0x1FE40] =	vst v0;
	v0 =	vshll.u32 v58, $0x7;
	v4 =	vand.u32 $0xFFFFFF80, v3  }
0x7c: {  	v29 =	vadd.s32 v14, v57;
	v2 =	vand.u32 $0xFFFFFF80, v44;
	v53 =	vand.u32 $0x7F, v44  }
0x7d: {  	v37 =	vld.idx.msk [tilespmem:v37+s10+$0x0], $0xffff;
	v60 =	vand.u32 $0xFFFFFF80, v29;
	v56 =	vand.u32 $0x7F, v29;
	v50 =	vor.u32 v8, v0  }
0x7e: {  	v29 =	vor.u32 v48, v0;
	v51 =	vadd.s32 v19, v2;
	v58 =	vadd.s32 v22, v60  }
0x7f: {  	v60 =	vadd.s32 v15, v57;
	v44 =	vor.u32 v53, v51;
	v51 =	vand.u32 $0x7F, v3  }
0x80: {  	v1 =	vld.idx.msk [tilespmem:v1+s10+$0x0], $0xffff;
	v53 =	vadd.s32 v20, v4;
	v55 =	vor.u32 v56, v58;
	v2 =	vand.u32 $0xFFFFFF80, v60  }
0x81: {  	v3 =	vadd.s32 v16, v57;
	v39 =	vor.u32 v51, v53;
	v51 =	vand.u32 $0x7F, v60  }
0x82: {  	[tilespmem:v45+s13+$0x0] =	vst.idx.msk $0xffff, v37;
	v53 =	vadd.s32 v23, v2;
	v4 =	vand.u32 $0xFFFFFF80, v3;
	v2 =	vadd.s32 v17, v57  }
0x83: {  	v8 =	vmovc v48;
	v48 =	vor.u32 v51, v53;
	v51 =	vand.u32 $0x7F, v3;
	v53 =	vadd.s32 v24, v4  }
0x84: {  	v56 =	vld.idx.msk [tilespmem:v47+s10+$0x0], $0xffff;
	v3 =	vand.u32 $0xFFFFFF80, v2;
	v4 =	vadd.s32 v21, v57;
	v37 =	vand.u32 $0x7F, v2  }
0x85: {  	[tilespmem:v49+s13+$0x0] =	vst.idx.msk $0xffff, v1;
	v58 =	vor.u32 v51, v53;
	v45 =	vadd.s32 v7, v3;
	v2 =	vand.u32 $0xFFFFFF80, v4  }
0x86: {  	v49 =	vld.idx.msk [tilespmem:v52+s10+$0x0], $0xffff;
	v53 =	vor.u32 v37, v45;
	v37 =	vand.u32 $0x7F, v4;
	v2 =	vadd.s32 v10, v2  }
0x87: {  	s28 =	sadd.s32 $0x3, s20;
	v45 =	vor.u32 v37, v2;
	v2 =	vadd.s32 v25, v57;
	v57 =	vld [tilespmem:$0x1FFC0]  }
0x88: {  	v3 =	vld [tilespmem:$0x1FFF0];
	v4 =	vadd.s32 s28, v9  }
0x89: {  	v33 =	vand.u32 $0x7F, v33;
	[tilespmem:v30+s13+$0x0] =	vst.idx.msk $0xffff, v56;
	v56 =	vand.u32 $0x3F, v4;
	v4 =	vld [tilespmem:$0x1FFD0]  }
0x8a: {  	v33 =	vor.u32 v33, v43;
	v43 =	vor.u32 v9, v0;
	v44 =	vld.idx.msk [tilespmem:v44+s10+$0x0], $0xffff;
	_ =	sdelay $0x1  }
0x8b: {  	v37 =	vor.u32 v57, v0;
	v57 =	vld.idx.msk [tilespmem:v38+s10+$0x0], $0xffff  }
0x8c: {  	v30 =	vand.u32 $0xFFFFFF80, v2;
	[tilespmem:v54+s13+$0x0] =	vst.idx.msk $0xffff, v49  }
0x8d: {  	v60 =	vor.u32 v62, v0;
	v51 =	vor.u32 v11, v0;
	v30 =	vadd.s32 v63, v30;
	v6 =	vld.idx.msk [tilespmem:v59+s10+$0x0], $0xffff  }
0x8e: {  	v2 =	vand.u32 $0x7F, v2;
	v47 =	vor.u32 v3, v0;
	v0 =	vor.u32 v4, v0;
	[tilespmem:v43+s13+$0x0] =	vst.idx.msk $0xffff, v44  }
0x8f: {  	v54 =	vadd.s32 v16, v56;
	v38 =	vor.u32 v2, v30;
	v2 =	vor.u32 v18, v56;
	[tilespmem:$0x1FE60] =	vst v0  }
0x90: {  	v43 =	vadd.s32 v21, v56;
	v0 =	vadd.s32 v12, v56;
	[tilespmem:v5+s13+$0x0] =	vst.idx.msk $0xffff, v57  }
0x91: {  	v44 =	vand.u32 $0xFFFFFF80, v43;
	v30 =	vand.u32 $0xFFFFFF80, v0;
	v0 =	vand.u32 $0x7F, v0;
	v32 =	vld.idx.msk [tilespmem:v32+s10+$0x0], $0xffff  }
0x92: {  	v1 =	vadd.s32 v19, v30;
	v30 =	vadd.s32 v13, v56;
	[tilespmem:v61+s13+$0x0] =	vst.idx.msk $0xffff, v6;
	v6 =	vand.u32 $0x7F, v43  }
0x93: {  	v43 =	vadd.s32 v25, v56;
	v0 =	vor.u32 v0, v1;
	v52 =	vand.u32 $0xFFFFFF80, v30  }
0x94: {  	v3 =	vand.u32 $0x7F, v30;
	v1 =	vadd.s32 v20, v52;
	v52 =	vadd.s32 v15, v56  }
0x95: {  	v57 =	vadd.s32 v14, v56;
	v5 =	vor.u32 v3, v1;
	v3 =	vand.u32 $0xFFFFFF80, v52  }
0x96: {  	v49 =	vand.u32 $0x7F, v52;
	v3 =	vadd.s32 v23, v3;
	[tilespmem:v36+s13+$0x0] =	vst.idx.msk $0xffff, v32;
	v36 =	vadd.s32 v17, v56;
	v56 =	vld [tilespmem:$0x1FDE0]  }
0x97: {  	v59 =	vor.u32 v49, v3;
	v49 =	vand.u32 $0xFFFFFF80, v54  }
0x98: {  	v54 =	vand.u32 $0x7F, v54;
	v3 =	vadd.s32 v24, v49;
	v49 =	vand.u32 $0xFFFFFF80, v36  }
0x99: {  	v54 =	vor.u32 v54, v3;
	v34 =	vld.idx.msk [tilespmem:v34+s10+$0x0], $0xffff;
	v36 =	vand.u32 $0x7F, v36;
	v3 =	vadd.s32 v7, v49  }
0x9a: {  	v49 =	vor.u32 v36, v3;
	v36 =	vld [tilespmem:$0x1FFF0];
	_ =	sdelay $0x1  }
0x9b: {  	s29 =	sadd.s32 $0x4, s20  }
0x9c: {  	v39 =	vld.idx.msk [tilespmem:v39+s10+$0x0], $0xffff;
	v61 =	vadd.s32 s29, v9  }
0x9d: {  	v2 =	vshll.u32 v2, $0x7;
	[tilespmem:v56+s13+$0x0] =	vst.idx.msk $0xffff, v34;
	v56 =	vand.u32 $0x3F, v61;
	v61 =	vld [tilespmem:$0x1FFC0]  }
0x9e: {  	v3 =	vor.u32 v36, v2;
	v36 =	vadd.s32 v10, v44  }
0x9f: {  	v44 =	vor.u32 v6, v36;
	v6 =	vand.u32 $0xFFFFFF80, v43  }
0xa0: {  	v34 =	vand.u32 $0x7F, v43;
	v6 =	vadd.s32 v63, v6  }
0xa1: {  	v26 =	vld.idx.msk [tilespmem:v26+s10+$0x0], $0xffff;
	[tilespmem:v50+s13+$0x0] =	vst.idx.msk $0xffff, v39;
	v34 =	vor.u32 v34, v6;
	v6 =	vadd.s32 v12, v56  }
0xa2: {  	v39 =	vld.idx.msk [tilespmem:v55+s10+$0x0], $0xffff;
	v50 =	vand.u32 $0xFFFFFF80, v6;
	v43 =	vor.u32 v61, v2;
	v61 =	vadd.s32 v13, v56  }
0xa3: {  	[tilespmem:$0x1FE70] =	vst v34;
	v34 =	vadd.s32 v19, v50;
	v50 =	vand.u32 $0xFFFFFF80, v61;
	v55 =	vand.u32 $0x7F, v61;
	v61 =	vld [tilespmem:$0x1FDF0];
	_ =	sdelay $0x1  }
0xa4: {  	v30 =	vld [tilespmem:$0x1FFE0]  }
0xa5: {  	v36 =	vld.idx.msk [tilespmem:v42+s10+$0x0], $0xffff  }
0xa6: {  	v4 =	vor.u32 v9, v2;
	v1 =	vand.u32 $0xFFFFFF80, v57;
	[tilespmem:v27+s13+$0x0] =	vst.idx.msk $0xffff, v26;
	v42 =	vld [tilespmem:$0x1FFD0];
	v26 =	vadd.s32 v20, v50  }
0xa7: {  	v57 =	vand.u32 $0x7F, v57;
	v1 =	vadd.s32 v22, v1;
	v50 =	vor.u32 v55, v26;
	v55 =	vld [tilespmem:$0x1FE00]  }
0xa8: {  	v52 =	vor.u32 v62, v2;
	v1 =	vor.u32 v57, v1;
	v57 =	vor.u32 v8, v2  }
0xa9: {  	v30 =	vor.u32 v30, v2;
	v27 =	vld.idx.msk [tilespmem:v28+s10+$0x0], $0xffff;
	v32 =	vor.u32 v11, v2;
	v6 =	vand.u32 $0x7F, v6  }
0xaa: {  	v6 =	vor.u32 v6, v34;
	v34 =	vadd.s32 v14, v56;
	[tilespmem:v61+s13+$0x0] =	vst.idx.msk $0xffff, v36;
	v61 =	vld [tilespmem:$0x1FFE0]  }
0xab: {  	[tilespmem:v29+s13+$0x0] =	vst.idx.msk $0xffff, v39;
	v29 =	vadd.s32 v16, v56;
	v2 =	vor.u32 v42, v2;
	v36 =	vand.u32 $0xFFFFFF80, v34  }
0xac: {  	[tilespmem:$0x1FE90] =	vst v2;
	v2 =	vor.u32 v18, v56;
	v26 =	vadd.s32 v22, v36;
	v36 =	vadd.s32 v15, v56  }
0xad: {  	[tilespmem:$0x1FE50] =	vst v3;
	v2 =	vshll.u32 v2, $0x7;
	v34 =	vand.u32 $0x7F, v34;
	v3 =	vand.u32 $0xFFFFFF80, v36  }
0xae: {  	[tilespmem:v46+s13+$0x0] =	vst.idx.msk $0xffff, v27;
	v34 =	vor.u32 v34, v26;
	v36 =	vand.u32 $0x7F, v36;
	v26 =	vadd.s32 v23, v3  }
0xaf: {  	v28 =	vld.idx.msk [tilespmem:v55+s10+$0x0], $0xffff;
	v55 =	vor.u32 v61, v2;
	v61 =	vor.u32 v36, v26;
	v36 =	vand.u32 $0xFFFFFF80, v29  }
0xb0: {  	v41 =	vld.idx.msk [tilespmem:v41+s10+$0x0], $0xffff;
	v46 =	vand.u32 $0x7F, v29;
	v26 =	vadd.s32 v24, v36  }
0xb1: {  	v26 =	vor.u32 v46, v26;
	v46 =	vld [tilespmem:$0x1FE10];
	_ =	sdelay $0x1  }
0xb2: {  	v0 =	vld.idx.msk [tilespmem:v0+s10+$0x0], $0xffff;
	_ =	sdelay $0x1  }
0xb3: {  	v39 =	vld.idx.msk [tilespmem:v48+s10+$0x0], $0xffff  }
0xb4: {  	[tilespmem:v31+s13+$0x0] =	vst.idx.msk $0xffff, v41;
	v41 =	vld [tilespmem:$0x1FFC0]  }
0xb5: {  	v36 =	vadd.s32 v17, v56  }
0xb6: {  	s30 =	sadd.s32 $0x5, s20;
	[tilespmem:v4+s13+$0x0] =	vst.idx.msk $0xffff, v0;
	v0 =	vadd.s32 v25, v56;
	v27 =	vand.u32 $0xFFFFFF80, v36  }
0xb7: {  	v5 =	vld.idx.msk [tilespmem:v5+s10+$0x0], $0xffff;
	[tilespmem:v46+s13+$0x0] =	vst.idx.msk $0xffff, v28;
	v46 =	vand.u32 $0x7F, v36;
	v36 =	vadd.s32 v21, v56;
	v56 =	vadd.s32 s30, v9  }
0xb8: {  	v31 =	vand.u32 $0x3F, v56;
	v56 =	vld [tilespmem:$0x1FE20]  }
0xb9: {  	[tilespmem:v60+s13+$0x0] =	vst.idx.msk $0xffff, v39;
	v4 =	vor.u32 v41, v2;
	v27 =	vadd.s32 v7, v27;
	v28 =	vand.u32 $0xFFFFFF80, v0  }
0xba: {  	v60 =	vld.idx.msk [tilespmem:v58+s10+$0x0], $0xffff;
	v0 =	vand.u32 $0x7F, v0;
	v46 =	vor.u32 v46, v27;
	v27 =	vand.u32 $0xFFFFFF80, v36  }
0xbb: {  	[tilespmem:$0x1FE80] =	vst v4;
	v36 =	vand.u32 $0x7F, v36;
	v27 =	vadd.s32 v10, v27;
	v4 =	vadd.s32 v12, v31  }
0xbc: {  	v58 =	vld [tilespmem:$0x1FFF0];
	v36 =	vor.u32 v36, v27;
	v27 =	vadd.s32 v63, v28;
	v29 =	vand.u32 $0xFFFFFF80, v4  }
0xbd: {  	v27 =	vor.u32 v0, v27;
	v0 =	vadd.s32 v19, v29;
	v29 =	vld [tilespmem:$0x1FE30]  }
0xbe: {  	[tilespmem:v30+s13+$0x0] =	vst.idx.msk $0xffff, v5;
	v28 =	vld [tilespmem:$0x1FFD0]  }
0xbf: {  	[tilespmem:v51+s13+$0x0] =	vst.idx.msk $0xffff, v60  }
0xc0: {  	v42 =	vor.u32 v9, v2;
	v48 =	vor.u32 v62, v2;
	v39 =	vor.u32 v11, v2;
	v41 =	vld.idx.msk [tilespmem:v56+s10+$0x0], $0xffff  }
0xc1: {  	v58 =	vor.u32 v58, v2;
	v3 =	vor.u32 v8, v2;
	v51 =	vadd.s32 v13, v31  }
0xc2: {  	v1 =	vld.idx.msk [tilespmem:v1+s10+$0x0], $0xffff;
	v60 =	vor.u32 v18, v31;
	v4 =	vand.u32 $0x7F, v4;
	v30 =	vand.u32 $0x7F, v51  }
0xc3: {  	v40 =	vld.idx.msk [tilespmem:v40+s10+$0x0], $0xffff;
	v0 =	vor.u32 v4, v0;
	v28 =	vor.u32 v28, v2;
	v56 =	vand.u32 $0xFFFFFF80, v51  }
0xc4: {  	v53 =	vld.idx.msk [tilespmem:v53+s10+$0x0], $0xffff;
	v2 =	vshll.u32 v60, $0x7;
	v60 =	vadd.s32 v14, v31;
	v4 =	vadd.s32 v20, v56  }
0xc5: {  	[tilespmem:v29+s13+$0x0] =	vst.idx.msk $0xffff, v41;
	v29 =	vand.u32 $0xFFFFFF80, v60;
	v41 =	vor.u32 v30, v4;
	v30 =	vand.u32 $0x7F, v60;
	v60 =	vld [tilespmem:$0x1FFE0];
	_ =	sdelay $0x1  }
0xc6: {  	[tilespmem:v57+s13+$0x0] =	vst.idx.msk $0xffff, v1;
	v6 =	vld.idx.msk [tilespmem:v6+s10+$0x0], $0xffff  }
0xc7: {  	[tilespmem:v35+s13+$0x0] =	vst.idx.msk $0xffff, v40;
	v35 =	vadd.s32 v15, v31  }
0xc8: {  	[tilespmem:v47+s13+$0x0] =	vst.idx.msk $0xffff, v53;
	v53 =	vld.idx.msk [tilespmem:v59+s10+$0x0], $0xffff;
	v51 =	vadd.s32 v22, v29;
	v29 =	vand.u32 $0xFFFFFF80, v35  }
0xc9: {  	v56 =	vor.u32 v60, v2;
	v60 =	vor.u32 v30, v51;
	v30 =	vadd.s32 v16, v31  }
0xca: {  	v40 =	vadd.s32 v23, v29;
	v29 =	vand.u32 $0xFFFFFF80, v30  }
0xcb: {  	[tilespmem:v42+s13+$0x0] =	vst.idx.msk $0xffff, v6;
	v35 =	vand.u32 $0x7F, v35;
	v30 =	vand.u32 $0x7F, v30;
	v47 =	vadd.s32 v24, v29  }
0xcc: {  	v59 =	vld.idx.msk [tilespmem:v45+s10+$0x0], $0xffff;
	v1 =	vor.u32 v35, v40;
	v29 =	vadd.s32 v17, v31;
	v51 =	vor.u32 v30, v47  }
0xcd: {  	[tilespmem:v52+s13+$0x0] =	vst.idx.msk $0xffff, v53;
	v53 =	vld [tilespmem:$0x1FFC0];
	v30 =	vand.u32 $0xFFFFFF80, v29;
	v47 =	vadd.s32 v21, v31;
	v6 =	vand.u32 $0x7F, v29  }
0xce: {  	v29 =	vadd.s32 v7, v30;
	v30 =	vand.u32 $0xFFFFFF80, v47;
	v35 =	vand.u32 $0x7F, v47;
	v47 =	vld.idx.msk [tilespmem:v50+s10+$0x0], $0xffff  }
0xcf: {  	v50 =	vld [tilespmem:$0x1FFF0];
	_ =	sdelay $0x2  }
0xd0: {  	s31 =	sadd.s32 $0x6, s20;
	v40 =	vadd.s32 v10, v30  }
0xd1: {  	v52 =	vadd.s32 s31, v9;
	[tilespmem:v37+s13+$0x0] =	vst.idx.msk $0xffff, v59;
	v59 =	vld [tilespmem:$0x1FFD0];
	v31 =	vadd.s32 v25, v31;
	v40 =	vor.u32 v35, v40  }
0xd2: {  	v35 =	vor.u32 v53, v2;
	v53 =	vld.idx.msk [tilespmem:v54+s10+$0x0], $0xffff;
	v42 =	vor.u32 v50, v2;
	v50 =	vand.u32 $0xFFFFFF80, v31  }
0xd3: {  	v54 =	vadd.s32 v63, v50;
	v50 =	vand.u32 $0x3F, v52;
	v52 =	vld [tilespmem:$0x1FE40];
	_ =	sdelay $0x1  }
0xd4: {  	v5 =	vor.u32 v9, v2;
	v0 =	vld.idx.msk [tilespmem:v0+s10+$0x0], $0xffff  }
0xd5: {  	v33 =	vld.idx.msk [tilespmem:v33+s10+$0x0], $0xffff;
	v57 =	vor.u32 v62, v2;
	v45 =	vor.u32 v11, v2  }
0xd6: {  	v4 =	vor.u32 v8, v2;
	v6 =	vor.u32 v6, v29;
	v31 =	vand.u32 $0x7F, v31  }
0xd7: {  	[tilespmem:v55+s13+$0x0] =	vst.idx.msk $0xffff, v47;
	v37 =	vor.u32 v31, v54;
	v31 =	vor.u32 v59, v2  }
0xd8: {  	v34 =	vld.idx.msk [tilespmem:v34+s10+$0x0], $0xffff;
	v2 =	vadd.s32 v12, v50;
	v54 =	vor.u32 v18, v50;
	v30 =	vadd.s32 v13, v50  }
0xd9: {  	[tilespmem:v5+s13+$0x0] =	vst.idx.msk $0xffff, v0;
	v59 =	vand.u32 $0xFFFFFF80, v2;
	v2 =	vand.u32 $0x7F, v2;
	v29 =	vshll.u32 v54, $0x7  }
0xda: {  	v54 =	vand.u32 $0xFFFFFF80, v30;
	v55 =	vand.u32 $0x7F, v30;
	[tilespmem:v52+s13+$0x0] =	vst.idx.msk $0xffff, v33;
	v33 =	vadd.s32 v19, v59  }
0xdb: {  	v59 =	vadd.s32 v14, v50;
	v2 =	vor.u32 v2, v33;
	v33 =	vadd.s32 v20, v54  }
0xdc: {  	[tilespmem:v32+s13+$0x0] =	vst.idx.msk $0xffff, v53;
	v53 =	vor.u32 v55, v33;
	v55 =	vand.u32 $0xFFFFFF80, v59  }
0xdd: {  	[tilespmem:v3+s13+$0x0] =	vst.idx.msk $0xffff, v34;
	v59 =	vand.u32 $0x7F, v59;
	v33 =	vld.idx.msk [tilespmem:v41+s10+$0x0], $0xffff;
	v47 =	vadd.s32 v22, v55  }
0xde: {  	v5 =	vor.u32 v59, v47;
	v47 =	vld.idx.msk [tilespmem:v61+s10+$0x0], $0xffff  }
0xdf: {  	v61 =	vld [tilespmem:$0x1FE50];
	_ =	sdelay $0x2  }
0xe0: {  	v49 =	vld.idx.msk [tilespmem:v49+s10+$0x0], $0xffff;
	[tilespmem:v56+s13+$0x0] =	vst.idx.msk $0xffff, v33  }
0xe1: {  	v56 =	vld.idx.msk [tilespmem:v60+s10+$0x0], $0xffff  }
0xe2: {  	v55 =	vadd.s32 v15, v50;
	v60 =	vld [tilespmem:$0x1FFF0]  }
0xe3: {  	v59 =	vand.u32 $0xFFFFFF80, v55  }
0xe4: {  	v30 =	vadd.s32 v16, v50;
	v32 =	vand.u32 $0x7F, v55;
	v0 =	vadd.s32 v23, v59  }
0xe5: {  	v55 =	vor.u32 v32, v0;
	v32 =	vand.u32 $0xFFFFFF80, v30;
	[tilespmem:v61+s13+$0x0] =	vst.idx.msk $0xffff, v49;
	v49 =	vadd.s32 v17, v50  }
0xe6: {  	v30 =	vand.u32 $0x7F, v30;
	v0 =	vadd.s32 v24, v32;
	v61 =	vld.idx.msk [tilespmem:v44+s10+$0x0], $0xffff;
	v44 =	vand.u32 $0xFFFFFF80, v49  }
0xe7: {  	v3 =	vor.u32 v30, v0;
	v0 =	vadd.s32 v7, v44;
	v44 =	vor.u32 v60, v29;
	v60 =	vld [tilespmem:$0x1FE60];
	_ =	sdelay $0x1  }
0xe8: {  	v38 =	vld.idx.msk [tilespmem:v38+s10+$0x0], $0xffff  }
0xe9: {  	v34 =	vadd.s32 v21, v50;
	v54 =	vld [tilespmem:$0x1FFE0]  }
0xea: {  	v52 =	vor.u32 v9, v29;
	v2 =	vld.idx.msk [tilespmem:v2+s10+$0x0], $0xffff;
	v30 =	vand.u32 $0xFFFFFF80, v34;
	[tilespmem:v48+s13+$0x0] =	vst.idx.msk $0xffff, v47;
	v49 =	vand.u32 $0x7F, v49  }
0xeb: {  	v48 =	vand.u32 $0x7F, v34;
	v26 =	vld.idx.msk [tilespmem:v26+s10+$0x0], $0xffff;
	v49 =	vor.u32 v49, v0;
	v0 =	vadd.s32 v10, v30  }
0xec: {  	[tilespmem:v4+s13+$0x0] =	vst.idx.msk $0xffff, v56;
	v0 =	vor.u32 v48, v0;
	v48 =	vld [tilespmem:$0x1FFC0]  }
0xed: {  	s22 =	sadd.s32 $0x7, s20;
	v41 =	vor.u32 v8, v29;
	v50 =	vadd.s32 v25, v50;
	v1 =	vld.idx.msk [tilespmem:v1+s10+$0x0], $0xffff  }
0xee: {  	v59 =	vor.u32 v62, v29;
	v47 =	vadd.s32 s22, v9;
	v56 =	vld [tilespmem:$0x1FFD0];
	[tilespmem:v60+s13+$0x0] =	vst.idx.msk $0xffff, v38;
	v38 =	vand.u32 $0xFFFFFF80, v50  }
0xef: {  	v54 =	vor.u32 v54, v29;
	[tilespmem:v52+s13+$0x0] =	vst.idx.msk $0xffff, v2;
	v30 =	vadd.s32 v63, v38;
	v38 =	vand.u32 $0x3F, v47  }
0xf0: {  	v32 =	vor.u32 v11, v29;
	v34 =	vand.u32 $0x7F, v50;
	[tilespmem:v39+s13+$0x0] =	vst.idx.msk $0xffff, v26;
	v50 =	vadd.s32 v12, v38  }
0xf1: {  	v46 =	vld.idx.msk [tilespmem:v46+s10+$0x0], $0xffff;
	[tilespmem:v43+s13+$0x0] =	vst.idx.msk $0xffff, v61;
	v33 =	vor.u32 v48, v29;
	v61 =	vand.u32 $0xFFFFFF80, v50  }
0xf2: {  	[tilespmem:v57+s13+$0x0] =	vst.idx.msk $0xffff, v1;
	v30 =	vor.u32 v34, v30;
	v34 =	vand.u32 $0x7F, v50;
	v47 =	vadd.s32 v19, v61  }
0xf3: {  	v29 =	vor.u32 v56, v29;
	v4 =	vadd.s32 v13, v38;
	v26 =	vor.u32 v34, v47  }
0xf4: {  	v51 =	vld.idx.msk [tilespmem:v51+s10+$0x0], $0xffff;
	v60 =	vor.u32 v18, v38;
	v56 =	vadd.s32 v14, v38;
	v50 =	vand.u32 $0xFFFFFF80, v4  }
0xf5: {  	v52 =	vand.u32 $0x7F, v4;
	v43 =	vand.u32 $0x7F, v56;
	v34 =	vshll.u32 v60, $0x7;
	v60 =	vld.idx.msk [tilespmem:v53+s10+$0x0], $0xffff  }
0xf6: {  	v4 =	vadd.s32 v15, v38;
	v39 =	vadd.s32 v20, v50;
	v61 =	vand.u32 $0xFFFFFF80, v56  }
0xf7: {  	[tilespmem:v58+s13+$0x0] =	vst.idx.msk $0xffff, v46;
	v50 =	vand.u32 $0x7F, v4;
	v56 =	vadd.s32 v16, v38;
	v2 =	vor.u32 v52, v39;
	v52 =	vld [tilespmem:$0x1FFE0]  }
0xf8: {  	v39 =	vadd.s32 v22, v61;
	v53 =	vand.u32 $0xFFFFFF80, v4;
	v48 =	vor.u32 v9, v34;
	v26 =	vld.idx.msk [tilespmem:v26+s10+$0x0], $0xffff  }
0xf9: {  	[tilespmem:v45+s13+$0x0] =	vst.idx.msk $0xffff, v51;
	v57 =	vand.u32 $0xFFFFFF80, v56;
	v61 =	vadd.s32 v17, v38;
	v39 =	vor.u32 v43, v39  }
0xfa: {  	v43 =	vadd.s32 v23, v53;
	v58 =	vand.u32 $0x7F, v61;
	[tilespmem:v54+s13+$0x0] =	vst.idx.msk $0xffff, v60;
	v60 =	vand.u32 $0x7F, v56;
	v56 =	vld [tilespmem:$0x1FFF0]  }
0xfb: {  	v50 =	vor.u32 v50, v43;
	v43 =	vadd.s32 v24, v57;
	v57 =	vand.u32 $0xFFFFFF80, v61;
	v5 =	vld.idx.msk [tilespmem:v5+s10+$0x0], $0xffff  }
0xfc: {  	v6 =	vld.idx.msk [tilespmem:v6+s10+$0x0], $0xffff;
	v1 =	vor.u32 v52, v34;
	v47 =	vor.u32 v60, v43;
	v43 =	vadd.s32 v7, v57  }
0xfd: {  	s23 =	sadd.s32 $0x8, s20;
	v60 =	vadd.s32 v21, v38;
	[tilespmem:v48+s13+$0x0] =	vst.idx.msk $0xffff, v26;
	v48 =	vor.u32 v58, v43;
	v58 =	vld [tilespmem:$0x1FFC0]  }
0xfe: {  	v38 =	vadd.s32 v25, v38;
	v57 =	vadd.s32 s23, v9;
	v61 =	vand.u32 $0xFFFFFF80, v60;
	v2 =	vld.idx.msk [tilespmem:v2+s10+$0x0], $0xffff  }
0xff: {  	v36 =	vld.idx.msk [tilespmem:v36+s10+$0x0], $0xffff;
	v52 =	vand.u32 $0x7F, v60;
	v51 =	vand.u32 $0x3F, v57;
	v46 =	vor.u32 v56, v34  }
0x100: {  	v60 =	vand.u32 $0xFFFFFF80, v38;
	v43 =	vadd.s32 v10, v61;
	v61 =	vadd.s32 v12, v51;
	v56 =	vld [tilespmem:$0x1FFD0];
	[tilespmem:v41+s13+$0x0] =	vst.idx.msk $0xffff, v5  }
0x101: {  	v53 =	vor.u32 v8, v34;
	v5 =	vadd.s32 v63, v60;
	v57 =	vand.u32 $0xFFFFFF80, v61;
	v55 =	vld.idx.msk [tilespmem:v55+s10+$0x0], $0xffff  }
0x102: {  	[tilespmem:v42+s13+$0x0] =	vst.idx.msk $0xffff, v6;
	v60 =	vadd.s32 v19, v57;
	v41 =	vor.u32 v58, v34;
	v58 =	vand.u32 $0x7F, v61  }
0x103: {  	v54 =	vor.u32 v62, v34;
	v38 =	vand.u32 $0x7F, v38;
	[tilespmem:v1+s13+$0x0] =	vst.idx.msk $0xffff, v2;
	v2 =	vor.u32 v58, v60;
	v58 =	vld [tilespmem:$0x1FE70]  }
0x104: {  	v26 =	vor.u32 v11, v34;
	v45 =	vor.u32 v52, v43;
	v43 =	vor.u32 v38, v5;
	v60 =	vld [tilespmem:$0x1FFE0]  }
0x105: {  	v38 =	vor.u32 v56, v34;
	v61 =	vadd.s32 v13, v51;
	v56 =	vor.u32 v18, v51;
	v34 =	vld.idx.msk [tilespmem:v39+s10+$0x0], $0xffff  }
0x106: {  	v57 =	vand.u32 $0xFFFFFF80, v61;
	v6 =	vshll.u32 v56, $0x7;
	v5 =	vand.u32 $0x7F, v61;
	[tilespmem:v59+s13+$0x0] =	vst.idx.msk $0xffff, v55;
	v59 =	vld [tilespmem:$0x1FE80]  }
0x107: {  	v56 =	vadd.s32 v15, v51;
	v1 =	vadd.s32 v20, v57;
	v39 =	vld.idx.msk [tilespmem:v40+s10+$0x0], $0xffff;
	v42 =	vor.u32 v9, v6  }
0x108: {  	v40 =	vand.u32 $0x7F, v56;
	v5 =	vor.u32 v5, v1;
	v1 =	vadd.s32 v14, v51;
	v3 =	vld.idx.msk [tilespmem:v3+s10+$0x0], $0xffff  }
0x109: {  	v57 =	vld [tilespmem:$0x1FE90];
	v61 =	vand.u32 $0xFFFFFF80, v1;
	v1 =	vand.u32 $0x7F, v1;
	v55 =	vor.u32 v60, v6  }
0x10a: {  	v60 =	vadd.s32 v22, v61;
	v61 =	vand.u32 $0xFFFFFF80, v56;
	v56 =	vadd.s32 v16, v51;
	[tilespmem:v53+s13+$0x0] =	vst.idx.msk $0xffff, v34  }
0x10b: {  	s24 =	sadd.s32 $0x9, s20;
	v2 =	vld.idx.msk [tilespmem:v2+s10+$0x0], $0xffff;
	v4 =	vor.u32 v1, v60;
	v53 =	vadd.s32 v23, v61;
	v1 =	vor.u32 v62, v6  }
0x10c: {  	[tilespmem:v35+s13+$0x0] =	vst.idx.msk $0xffff, v39;
	v60 =	vadd.s32 v17, v51;
	v61 =	vadd.s32 s24, v9;
	v52 =	vld.idx.msk [tilespmem:v58+s10+$0x0], $0xffff  }
0x10d: {  	v34 =	vand.u32 $0x7F, v56;
	v53 =	vor.u32 v40, v53;
	[tilespmem:v32+s13+$0x0] =	vst.idx.msk $0xffff, v3;
	v3 =	vld.idx.msk [tilespmem:v37+s10+$0x0], $0xffff;
	v35 =	vand.u32 $0x3F, v61  }
0x10e: {  	v40 =	vor.u32 v11, v6;
	v58 =	vand.u32 $0xFFFFFF80, v56;
	v56 =	vand.u32 $0xFFFFFF80, v60;
	[tilespmem:v59+s13+$0x0] =	vst.idx.msk $0xffff, v36;
	v36 =	vld.idx.msk [tilespmem:v50+s10+$0x0], $0xffff  }
0x10f: {  	v61 =	vld [tilespmem:$0x1FFF0];
	v50 =	vor.u32 v8, v6;
	v59 =	vadd.s32 v24, v58;
	v32 =	vadd.s32 v7, v56  }
0x110: {  	v58 =	vadd.s32 v12, v35;
	v56 =	vadd.s32 v25, v51;
	v27 =	vld.idx.msk [tilespmem:v27+s10+$0x0], $0xffff;
	[tilespmem:v42+s13+$0x0] =	vst.idx.msk $0xffff, v2  }
0x111: {  	v39 =	vand.u32 $0x7F, v58;
	v5 =	vld.idx.msk [tilespmem:v5+s10+$0x0], $0xffff;
	[tilespmem:v57+s13+$0x0] =	vst.idx.msk $0xffff, v52;
	v52 =	vor.u32 v34, v59  }
0x112: {  	v34 =	vld.idx.msk [tilespmem:v49+s10+$0x0], $0xffff;
	v57 =	vand.u32 $0x7F, v60;
	v59 =	vand.u32 $0xFFFFFF80, v58;
	v60 =	vadd.s32 v21, v51  }
0x113: {  	v58 =	vand.u32 $0xFFFFFF80, v56;
	[tilespmem:v54+s13+$0x0] =	vst.idx.msk $0xffff, v36;
	v37 =	vor.u32 v57, v32;
	v32 =	vadd.s32 v19, v59;
	v57 =	vld [tilespmem:$0x1FFC0]  }
0x114: {  	[tilespmem:v31+s13+$0x0] =	vst.idx.msk $0xffff, v3;
	v49 =	vand.u32 $0xFFFFFF80, v60;
	v54 =	vand.u32 $0x7F, v60;
	v36 =	vld.idx.msk [tilespmem:v47+s10+$0x0], $0xffff;
	v32 =	vor.u32 v39, v32  }
0x115: {  	v59 =	vand.u32 $0x7F, v56;
	v60 =	vor.u32 v18, v35;
	v3 =	vadd.s32 v63, v58;
	v56 =	vld [tilespmem:$0x1FFD0];
	[tilespmem:v28+s13+$0x0] =	vst.idx.msk $0xffff, v27  }
0x116: {  	v27 =	vor.u32 v61, v6;
	v28 =	vadd.s32 v10, v49;
	v61 =	vadd.s32 v13, v35  }
0x117: {  	v28 =	vor.u32 v54, v28;
	v49 =	vand.u32 $0xFFFFFF80, v61;
	v54 =	vadd.s32 v14, v35;
	[tilespmem:v55+s13+$0x0] =	vst.idx.msk $0xffff, v5  }
0x118: {  	v51 =	vand.u32 $0x7F, v61;
	v55 =	vld [tilespmem:$0x1FFC0];
	v58 =	vand.u32 $0x7F, v54;
	[tilespmem:v44+s13+$0x0] =	vst.idx.msk $0xffff, v34;
	v34 =	vor.u32 v59, v3  }
0x119: {  	v31 =	vor.u32 v57, v6;
	v57 =	vand.u32 $0xFFFFFF80, v54;
	[tilespmem:v26+s13+$0x0] =	vst.idx.msk $0xffff, v36;
	v26 =	vshll.u32 v60, $0x7;
	v39 =	vld.idx.msk [tilespmem:v32+s10+$0x0], $0xffff  }
0x11a: {  	v36 =	vadd.s32 v20, v49;
	v32 =	vor.u32 v56, v6;
	v6 =	vld [tilespmem:$0x1FFE0];
	v47 =	vor.u32 v9, v26  }
0x11b: {  	v59 =	vadd.s32 v22, v57;
	v60 =	vadd.s32 v15, v35;
	v3 =	vor.u32 v51, v36;
	v44 =	vld.idx.msk [tilespmem:v48+s10+$0x0], $0xffff  }
0x11c: {  	v0 =	vld.idx.msk [tilespmem:v0+s10+$0x0], $0xffff;
	v56 =	vadd.s32 v17, v35;
	v2 =	vor.u32 v58, v59;
	v48 =	vor.u32 v8, v26  }
0x11d: {  	v4 =	vld.idx.msk [tilespmem:v4+s10+$0x0], $0xffff;
	v61 =	vand.u32 $0xFFFFFF80, v60;
	v49 =	vand.u32 $0x7F, v60;
	v51 =	vadd.s32 v16, v35  }
0x11e: {  	v57 =	vand.u32 $0xFFFFFF80, v56;
	v58 =	vand.u32 $0x7F, v56;
	v59 =	vadd.s32 v21, v35;
	v60 =	vld [tilespmem:$0x1FFF0]  }
0x11f: {  	v35 =	vadd.s32 v25, v35;
	v36 =	vadd.s32 v23, v61;
	v54 =	vand.u32 $0xFFFFFF80, v51;
	[tilespmem:v47+s13+$0x0] =	vst.idx.msk $0xffff, v39  }
0x120: {  	v42 =	vand.u32 $0x7F, v51;
	v61 =	vand.u32 $0xFFFFFF80, v59;
	v6 =	vor.u32 v6, v26;
	[tilespmem:v46+s13+$0x0] =	vst.idx.msk $0xffff, v44;
	v3 =	vld.idx.msk [tilespmem:v3+s10+$0x0], $0xffff  }
0x121: {  	[tilespmem:v33+s13+$0x0] =	vst.idx.msk $0xffff, v0;
	v39 =	vor.u32 v49, v36;
	v36 =	vadd.s32 v24, v54;
	v45 =	vld.idx.msk [tilespmem:v45+s10+$0x0], $0xffff  }
0x122: {  	v33 =	vor.u32 v55, v26;
	v42 =	vor.u32 v42, v36;
	v36 =	vadd.s32 v7, v57;
	v57 =	vld [tilespmem:$0x1FFD0]  }
0x123: {  	v47 =	vor.u32 v62, v26;
	v46 =	vor.u32 v11, v26;
	v49 =	vor.u32 v60, v26  }
0x124: {  	[tilespmem:v50+s13+$0x0] =	vst.idx.msk $0xffff, v4;
	v30 =	vld.idx.msk [tilespmem:v30+s10+$0x0], $0xffff;
	v44 =	vand.u32 $0x7F, v59;
	v54 =	vand.u32 $0xFFFFFF80, v35;
	v35 =	vand.u32 $0x7F, v35  }
0x125: {  	s25 =	sadd.s32 $0xA, s20;
	v60 =	vld.idx.msk [tilespmem:v53+s10+$0x0], $0xffff;
	v5 =	vor.u32 v58, v36;
	[tilespmem:v6+s13+$0x0] =	vst.idx.msk $0xffff, v3;
	v6 =	vadd.s32 v10, v61  }
0x126: {  	v3 =	vadd.s32 v63, v54;
	v51 =	vld.idx.msk [tilespmem:v2+s10+$0x0], $0xffff;
	v2 =	vor.u32 v44, v6;
	v6 =	vadd.s32 s25, v9  }
0x127: {  	[tilespmem:v41+s13+$0x0] =	vst.idx.msk $0xffff, v45;
	v36 =	vor.u32 v35, v3;
	v35 =	vor.u32 v57, v26;
	v6 =	vand.u32 $0x3F, v6  }
0x128: {  	v56 =	vadd.s32 v12, v6;
	v58 =	vor.u32 v18, v6;
	v61 =	vadd.s32 v13, v6  }
0x129: {  	v43 =	vld.idx.msk [tilespmem:v43+s10+$0x0], $0xffff;
	v54 =	vadd.s32 v14, v6;
	v59 =	vand.u32 $0xFFFFFF80, v56;
	v3 =	vand.u32 $0x7F, v56  }
0x12a: {  	s26 =	sadd.s32 $0xB, s20;
	[tilespmem:v29+s13+$0x0] =	vst.idx.msk $0xffff, v30;
	v53 =	vand.u32 $0x7F, v61;
	v55 =	vand.u32 $0xFFFFFF80, v54;
	v56 =	vand.u32 $0x7F, v54  }
0x12b: {  	[tilespmem:v1+s13+$0x0] =	vst.idx.msk $0xffff, v60;
	v26 =	vadd.s32 v19, v59;
	v57 =	vadd.s32 v22, v55;
	v55 =	vadd.s32 s26, v9  }
0x12c: {  	[tilespmem:v48+s13+$0x0] =	vst.idx.msk $0xffff, v51;
	v0 =	vor.u32 v3, v26;
	v26 =	vshll.u32 v58, $0x7;
	v48 =	vand.u32 $0xFFFFFF80, v61  }
0x12d: {  	v58 =	vadd.s32 v15, v6;
	v29 =	vor.u32 v56, v57;
	v61 =	vld.idx.msk [tilespmem:v52+s10+$0x0], $0xffff;
	v51 =	vadd.s32 v16, v6  }
0x12e: {  	[tilespmem:v38+s13+$0x0] =	vst.idx.msk $0xffff, v43;
	v43 =	vand.u32 $0x3F, v55;
	v56 =	vadd.s32 v17, v6;
	v3 =	vadd.s32 v20, v48  }
0x12f: {  	v50 =	vld.idx.msk [tilespmem:v39+s10+$0x0], $0xffff;
	v45 =	vor.u32 v9, v26;
	v60 =	vand.u32 $0xFFFFFF80, v58;
	v39 =	vand.u32 $0x7F, v58  }
0x130: {  	v59 =	vld [tilespmem:$0x1FFE0];
	v4 =	vor.u32 v8, v26;
	v52 =	vand.u32 $0xFFFFFF80, v51;
	v54 =	vand.u32 $0x7F, v51  }
0x131: {  	v44 =	vor.u32 v62, v26;
	v48 =	vor.u32 v11, v26;
	v57 =	vadd.s32 v12, v43  }
0x132: {  	v58 =	vand.u32 $0xFFFFFF80, v56;
	v3 =	vor.u32 v53, v3;
	v1 =	vadd.s32 v23, v60  }
0x133: {  	v60 =	vadd.s32 v21, v6;
	v30 =	vadd.s32 v7, v58;
	v0 =	vld.idx.msk [tilespmem:v0+s10+$0x0], $0xffff;
	[tilespmem:v40+s13+$0x0] =	vst.idx.msk $0xffff, v61  }
0x134: {  	v39 =	vor.u32 v39, v1;
	v1 =	vadd.s32 v24, v52;
	v52 =	vadd.s32 v25, v6;
	v37 =	vld.idx.msk [tilespmem:v37+s10+$0x0], $0xffff  }
0x135: {  	v51 =	vld [tilespmem:$0x1FFF0];
	v41 =	vor.u32 v59, v26;
	v59 =	vand.u32 $0xFFFFFF80, v57;
	v6 =	vand.u32 $0xFFFFFF80, v52;
	[tilespmem:v47+s13+$0x0] =	vst.idx.msk $0xffff, v50  }
0x136: {  	v40 =	vadd.s32 v19, v59;
	v61 =	vand.u32 $0xFFFFFF80, v60;
	v6 =	vadd.s32 v63, v6;
	v53 =	vld.idx.msk [tilespmem:v42+s10+$0x0], $0xffff  }
0x137: {  	v59 =	vadd.s32 v14, v43;
	v47 =	vor.u32 v54, v1;
	v42 =	vand.u32 $0x7F, v57  }
0x138: {  	v50 =	vadd.s32 v10, v61;
	v40 =	vor.u32 v42, v40;
	[tilespmem:v45+s13+$0x0] =	vst.idx.msk $0xffff, v0;
	v0 =	vand.u32 $0x7F, v52;
	v52 =	vld [tilespmem:$0x1FFE0]  }
0x139: {  	v1 =	vand.u32 $0x7F, v56;
	v54 =	vadd.s32 v13, v43;
	v61 =	vand.u32 $0xFFFFFF80, v59;
	v3 =	vld.idx.msk [tilespmem:v3+s10+$0x0], $0xffff;
	[tilespmem:v27+s13+$0x0] =	vst.idx.msk $0xffff, v37  }
0x13a: {  	v55 =	vand.u32 $0xFFFFFF80, v54;
	v38 =	vand.u32 $0x7F, v54;
	v45 =	vor.u32 v1, v30;
	v58 =	vld.idx.msk [tilespmem:v28+s10+$0x0], $0xffff  }
0x13b: {  	v1 =	vor.u32 v51, v26;
	[tilespmem:v46+s13+$0x0] =	vst.idx.msk $0xffff, v53;
	v46 =	vand.u32 $0x7F, v60;
	v53 =	vor.u32 v18, v43;
	v60 =	vld [tilespmem:$0x1FFC0]  }
0x13c: {  	v30 =	vadd.s32 v20, v55;
	v51 =	vadd.s32 v15, v43;
	v5 =	vld.idx.msk [tilespmem:v5+s10+$0x0], $0xffff;
	v27 =	vshll.u32 v53, $0x7  }
0x13d: {  	v30 =	vor.u32 v38, v30;
	v28 =	vor.u32 v0, v6;
	v56 =	vld.idx.msk [tilespmem:v40+s10+$0x0], $0xffff;
	v57 =	vor.u32 v9, v27  }
0x13e: {  	s28 =	sadd.s32 $0xC, s20;
	v0 =	vadd.s32 v22, v61;
	v42 =	vor.u32 v46, v50;
	v53 =	vand.u32 $0xFFFFFF80, v51  }
0x13f: {  	v54 =	vadd.s32 s28, v9;
	v46 =	vor.u32 v11, v27;
	[tilespmem:v41+s13+$0x0] =	vst.idx.msk $0xffff, v3;
	v3 =	vadd.s32 v23, v53  }
0x140: {  	v41 =	vor.u32 v8, v27;
	v40 =	vor.u32 v60, v26;
	v6 =	vld.idx.msk [tilespmem:v29+s10+$0x0], $0xffff;
	v29 =	vor.u32 v52, v27  }
0x141: {  	v60 =	vadd.s32 v17, v43;
	[tilespmem:v49+s13+$0x0] =	vst.idx.msk $0xffff, v5;
	v49 =	vand.u32 $0x7F, v59;
	v5 =	vand.u32 $0x7F, v51  }
0x142: {  	v52 =	vand.u32 $0xFFFFFF80, v60;
	v51 =	vadd.s32 v25, v43;
	v0 =	vor.u32 v49, v0;
	[tilespmem:v57+s13+$0x0] =	vst.idx.msk $0xffff, v56  }
0x143: {  	v3 =	vor.u32 v5, v3;
	v5 =	vor.u32 v62, v27;
	v55 =	vld.idx.msk [tilespmem:v30+s10+$0x0], $0xffff;
	v30 =	vand.u32 $0x3F, v54  }
0x144: {  	v56 =	vadd.s32 v16, v43;
	v2 =	vld.idx.msk [tilespmem:v2+s10+$0x0], $0xffff;
	v53 =	vadd.s32 v7, v52;
	v57 =	vadd.s32 v12, v30  }
0x145: {  	[tilespmem:v31+s13+$0x0] =	vst.idx.msk $0xffff, v58;
	v58 =	vand.u32 $0xFFFFFF80, v56;
	v37 =	vand.u32 $0x7F, v56;
	v59 =	vand.u32 $0xFFFFFF80, v57  }
0x146: {  	v54 =	vld [tilespmem:$0x1FFF0];
	v31 =	vadd.s32 v24, v58;
	[tilespmem:v4+s13+$0x0] =	vst.idx.msk $0xffff, v6;
	v6 =	vand.u32 $0x7F, v57;
	v61 =	vadd.s32 v19, v59  }
0x147: {  	v56 =	vor.u32 v18, v30;
	v52 =	vadd.s32 v14, v30;
	v6 =	vor.u32 v6, v61  }
0x148: {  	v37 =	vor.u32 v37, v31;
	v4 =	vand.u32 $0x7F, v60;
	v57 =	vadd.s32 v13, v30;
	v39 =	vld.idx.msk [tilespmem:v39+s10+$0x0], $0xffff  }
0x149: {  	v4 =	vor.u32 v4, v53;
	v59 =	vand.u32 $0xFFFFFF80, v57;
	v38 =	vand.u32 $0x7F, v57;
	v53 =	vld [tilespmem:$0x1FFC0];
	[tilespmem:v33+s13+$0x0] =	vst.idx.msk $0xffff, v2  }
0x14a: {  	v57 =	vadd.s32 v15, v30;
	v33 =	vadd.s32 v20, v59;
	[tilespmem:v29+s13+$0x0] =	vst.idx.msk $0xffff, v55;
	v29 =	vshll.u32 v56, $0x7;
	v56 =	vld [tilespmem:$0x1FFE0]  }
0x14b: {  	v59 =	vand.u32 $0xFFFFFF80, v57;
	v49 =	vor.u32 v54, v27;
	v55 =	vadd.s32 v21, v43;
	v0 =	vld.idx.msk [tilespmem:v0+s10+$0x0], $0xffff  }
0x14c: {  	v61 =	vor.u32 v38, v33;
	v54 =	vand.u32 $0xFFFFFF80, v51;
	v60 =	vor.u32 v9, v29;
	v6 =	vld.idx.msk [tilespmem:v6+s10+$0x0], $0xffff  }
0x14d: {  	v58 =	vand.u32 $0xFFFFFF80, v55;
	v31 =	vand.u32 $0x7F, v55;
	v55 =	vand.u32 $0xFFFFFF80, v52;
	[tilespmem:v44+s13+$0x0] =	vst.idx.msk $0xffff, v39  }
0x14e: {  	v38 =	vadd.s32 v63, v54;
	v50 =	vor.u32 v62, v29;
	v2 =	vadd.s32 v10, v58;
	v44 =	vld.idx.msk [tilespmem:v47+s10+$0x0], $0xffff  }
0x14f: {  	s30 =	sadd.s32 $0xE, s20;
	v58 =	vadd.s32 v16, v30;
	v33 =	vor.u32 v31, v2;
	v2 =	vor.u32 v56, v29  }
0x150: {  	s29 =	sadd.s32 $0xD, s20;
	v43 =	vand.u32 $0x7F, v52;
	v56 =	vld.idx.msk [tilespmem:v36+s10+$0x0], $0xffff;
	[tilespmem:v41+s13+$0x0] =	vst.idx.msk $0xffff, v0;
	v41 =	vadd.s32 v22, v55;
	v55 =	vadd.s32 s30, v9  }
0x151: {  	v52 =	vadd.s32 s29, v9;
	v31 =	vor.u32 v53, v27;
	v3 =	vld.idx.msk [tilespmem:v3+s10+$0x0], $0xffff;
	v36 =	vand.u32 $0x3F, v55;
	[tilespmem:v60+s13+$0x0] =	vst.idx.msk $0xffff, v6  }
0x152: {  	v47 =	vand.u32 $0x7F, v58;
	v55 =	vadd.s32 v13, v36;
	v6 =	vor.u32 v43, v41;
	v39 =	vld.idx.msk [tilespmem:v61+s10+$0x0], $0xffff  }
0x153: {  	v43 =	vor.u32 v8, v29;
	[tilespmem:v48+s13+$0x0] =	vst.idx.msk $0xffff, v44;
	v41 =	vand.u32 $0x7F, v57;
	v60 =	vand.u32 $0xFFFFFF80, v58  }
0x154: {  	v34 =	vld.idx.msk [tilespmem:v34+s10+$0x0], $0xffff;
	v44 =	vadd.s32 v23, v59;
	v59 =	vadd.s32 v12, v36;
	v48 =	vadd.s32 v24, v60  }
0x155: {  	s31 =	sadd.s32 $0xF, s20;
	v0 =	vand.u32 $0x7F, v51;
	v44 =	vor.u32 v41, v44;
	v61 =	vadd.s32 v17, v30;
	[tilespmem:v35+s13+$0x0] =	vst.idx.msk $0xffff, v56  }
0x156: {  	v45 =	vld.idx.msk [tilespmem:v45+s10+$0x0], $0xffff;
	v56 =	vadd.s32 s31, v9;
	v47 =	vor.u32 v47, v48;
	v53 =	vand.u32 $0xFFFFFF80, v61;
	[tilespmem:v5+s13+$0x0] =	vst.idx.msk $0xffff, v3  }
0x157: {  	v35 =	vand.u32 $0x3F, v56;
	v3 =	vor.u32 v11, v29;
	v48 =	vld.idx.msk [tilespmem:v37+s10+$0x0], $0xffff;
	v37 =	vand.u32 $0x3F, v52;
	[tilespmem:v2+s13+$0x0] =	vst.idx.msk $0xffff, v39  }
0x158: {  	v5 =	vand.u32 $0x7F, v61;
	v54 =	vadd.s32 v12, v37;
	v61 =	vor.u32 v18, v37;
	v6 =	vld.idx.msk [tilespmem:v6+s10+$0x0], $0xffff  }
0x159: {  	v51 =	vadd.s32 v13, v37;
	v2 =	vadd.s32 v7, v53;
	v57 =	vand.u32 $0xFFFFFF80, v54  }
0x15a: {  	[tilespmem:v32+s13+$0x0] =	vst.idx.msk $0xffff, v34;
	v58 =	vand.u32 $0x7F, v54;
	v41 =	vor.u32 v5, v2;
	v2 =	vadd.s32 v19, v57  }
0x15b: {  	[tilespmem:v1+s13+$0x0] =	vst.idx.msk $0xffff, v45;
	v45 =	vand.u32 $0xFFFFFF80, v59;
	v32 =	vshll.u32 v61, $0x7;
	v1 =	vor.u32 v58, v2  }
0x15c: {  	v54 =	vor.u32 v18, v36;
	v5 =	vand.u32 $0x7F, v59;
	v53 =	vor.u32 v9, v32  }
0x15d: {  	v60 =	vld.idx.msk [tilespmem:v42+s10+$0x0], $0xffff;
	v42 =	vand.u32 $0x7F, v51;
	v34 =	vshll.u32 v54, $0x7;
	v2 =	vadd.s32 v19, v45;
	[tilespmem:v43+s13+$0x0] =	vst.idx.msk $0xffff, v6  }
0x15e: {  	v59 =	vadd.s32 v12, v35;
	v54 =	vadd.s32 v15, v37;
	v2 =	vor.u32 v5, v2;
	v52 =	vld.idx.msk [tilespmem:v44+s10+$0x0], $0xffff  }
0x15f: {  	v57 =	vor.u32 v9, v34;
	v58 =	vand.u32 $0xFFFFFF80, v55;
	v61 =	vand.u32 $0xFFFFFF80, v59  }
0x160: {  	v45 =	vand.u32 $0x7F, v59;
	v59 =	vor.u32 v18, v35;
	v6 =	vand.u32 $0xFFFFFF80, v51;
	v1 =	vld.idx.msk [tilespmem:v1+s10+$0x0], $0xffff  }
0x161: {  	[tilespmem:v46+s13+$0x0] =	vst.idx.msk $0xffff, v48;
	v48 =	vmovc v8;
	v8 =	vld [tilespmem:$0x1FFE0];
	v46 =	vand.u32 $0xFFFFFF80, v54;
	v5 =	vand.u32 $0x7F, v54;
	v6 =	vadd.s32 v20, v6  }
0x162: {  	v54 =	vadd.s32 v16, v37;
	v4 =	vld.idx.msk [tilespmem:v4+s10+$0x0], $0xffff;
	[tilespmem:v40+s13+$0x0] =	vst.idx.msk $0xffff, v60;
	v6 =	vor.u32 v42, v6  }
0x163: {  	v40 =	vadd.s32 v20, v58;
	v44 =	vand.u32 $0x7F, v55;
	v2 =	vld.idx.msk [tilespmem:v2+s10+$0x0], $0xffff;
	[tilespmem:v50+s13+$0x0] =	vst.idx.msk $0xffff, v52  }
0x164: {  	v60 =	vadd.s32 v14, v37;
	v40 =	vor.u32 v44, v40;
	v44 =	vadd.s32 v19, v61;
	v12 =	vld.idx.msk [tilespmem:v47+s10+$0x0], $0xffff  }
0x165: {  	v55 =	vadd.s32 v14, v36;
	[tilespmem:v53+s13+$0x0] =	vst.idx.msk $0xffff, v1;
	v53 =	vor.u32 v45, v44  }
0x166: {  	v42 =	vor.u32 v8, v32;
	v56 =	vor.u32 v8, v34;
	v50 =	vand.u32 $0xFFFFFF80, v60  }
0x167: {  	v51 =	vand.u32 $0x7F, v60;
	[tilespmem:v49+s13+$0x0] =	vst.idx.msk $0xffff, v4;
	v44 =	vand.u32 $0x7F, v55;
	v52 =	vadd.s32 v22, v50;
	v6 =	vld.idx.msk [tilespmem:v6+s10+$0x0], $0xffff  }
0x168: {  	v60 =	vadd.s32 v13, v35;
	v47 =	vlaneseq.u32;
	[tilespmem:v57+s13+$0x0] =	vst.idx.msk $0xffff, v2;
	v1 =	vor.u32 v51, v52  }
0x169: {  	v57 =	vand.u32 $0xFFFFFF80, v55;
	v58 =	vld.idx.msk [tilespmem:v40+s10+$0x0], $0xffff;
	v40 =	vshll.u32 v59, $0x7;
	[tilespmem:v3+s13+$0x0] =	vst.idx.msk $0xffff, v12;
	v12 =	vand.u32 $0xFFFFFF80, v60  }
0x16a: {  	v19 =	vand.u32 $0x7F, v60;
	v18 =	vor.u32 v47, v40;
	v13 =	vld.idx.msk [tilespmem:v53+s10+$0x0], $0xffff;
	v4 =	vadd.s32 v20, v12  }
0x16b: {  	v50 =	vadd.s32 v15, v36;
	v39 =	vadd.s32 v22, v57;
	v4 =	vor.u32 v19, v4  }
0x16c: {  	v51 =	vor.u32 v48, v34;
	v52 =	vand.u32 $0xFFFFFF80, v50;
	v61 =	vor.u32 v44, v39;
	[tilespmem:v42+s13+$0x0] =	vst.idx.msk $0xffff, v6  }
0x16d: {  	v59 =	vand.u32 $0x7F, v54;
	v6 =	vor.u32 v48, v32;
	v42 =	vadd.s32 v23, v46;
	v1 =	vld.idx.msk [tilespmem:v1+s10+$0x0], $0xffff  }
0x16e: {  	v44 =	vand.u32 $0x7F, v50;
	v53 =	vadd.s32 v14, v35;
	v5 =	vor.u32 v5, v42  }
0x16f: {  	v50 =	vadd.s32 v17, v36;
	v55 =	vand.u32 $0xFFFFFF80, v53;
	v57 =	vand.u32 $0x7F, v53;
	[tilespmem:v18+s13+$0x0] =	vst.idx.msk $0xffff, v13  }
0x170: {  	[tilespmem:v56+s13+$0x0] =	vst.idx.msk $0xffff, v58;
	v56 =	vor.u32 v8, v40;
	v39 =	vadd.s32 v22, v55;
	v4 =	vld.idx.msk [tilespmem:v4+s10+$0x0], $0xffff  }
0x171: {  	v14 =	vadd.s32 v15, v35;
	v42 =	vadd.s32 v23, v52;
	v3 =	vld.idx.msk [tilespmem:v61+s10+$0x0], $0xffff;
	v39 =	vor.u32 v57, v39  }
0x172: {  	v15 =	vadd.s32 v17, v37;
	v42 =	vor.u32 v44, v42;
	[tilespmem:v6+s13+$0x0] =	vst.idx.msk $0xffff, v1;
	v6 =	vand.u32 $0xFFFFFF80, v54  }
0x173: {  	v60 =	vadd.s32 v16, v36;
	v58 =	vor.u32 v62, v32;
	v5 =	vld.idx.msk [tilespmem:v5+s10+$0x0], $0xffff;
	v6 =	vadd.s32 v24, v6  }
0x174: {  	v53 =	vadd.s32 v16, v35;
	v12 =	vand.u32 $0xFFFFFF80, v60;
	v6 =	vor.u32 v59, v6  }
0x175: {  	v9 =	vld [tilespmem:$0x1FFF0];
	v20 =	vand.u32 $0x7F, v14;
	v61 =	vor.u32 v62, v34;
	v18 =	vand.u32 $0xFFFFFF80, v14;
	[tilespmem:v56+s13+$0x0] =	vst.idx.msk $0xffff, v4  }
0x176: {  	v19 =	vor.u32 v48, v40;
	[tilespmem:v51+s13+$0x0] =	vst.idx.msk $0xffff, v3;
	v4 =	vadd.s32 v23, v18;
	v39 =	vld.idx.msk [tilespmem:v39+s10+$0x0], $0xffff  }
0x177: {  	v13 =	vand.u32 $0x7F, v60;
	v3 =	vadd.s32 v24, v12;
	v42 =	vld.idx.msk [tilespmem:v42+s10+$0x0], $0xffff;
	v4 =	vor.u32 v20, v4  }
0x178: {  	v52 =	vand.u32 $0xFFFFFF80, v50;
	v3 =	vor.u32 v13, v3;
	[tilespmem:v58+s13+$0x0] =	vst.idx.msk $0xffff, v5;
	v23 =	vand.u32 $0xFFFFFF80, v15  }
0x179: {  	v55 =	vor.u32 v62, v40;
	v5 =	vld.idx.msk [tilespmem:v6+s10+$0x0], $0xffff;
	v6 =	vand.u32 $0x7F, v15;
	v1 =	vadd.s32 v7, v23  }
0x17a: {  	v2 =	vadd.s32 v7, v52;
	v1 =	vor.u32 v6, v1;
	v6 =	vand.u32 $0x7F, v50  }
0x17b: {  	v58 =	vor.u32 v9, v29;
	v9 =	vld [tilespmem:$0x1FFC0];
	v2 =	vor.u32 v6, v2;
	v6 =	vand.u32 $0xFFFFFF80, v53;
	[tilespmem:v19+s13+$0x0] =	vst.idx.msk $0xffff, v39  }
0x17c: {  	[tilespmem:v61+s13+$0x0] =	vst.idx.msk $0xffff, v42;
	v42 =	vand.u32 $0x7F, v53;
	v6 =	vadd.s32 v24, v6;
	v4 =	vld.idx.msk [tilespmem:v4+s10+$0x0], $0xffff  }
0x17d: {  	v54 =	vor.u32 v11, v34;
	v3 =	vld.idx.msk [tilespmem:v3+s10+$0x0], $0xffff;
	v6 =	vor.u32 v42, v6  }
0x17e: {  	v12 =	vadd.s32 v21, v37  }
0x17f: {  	v14 =	vand.u32 $0xFFFFFF80, v12  }
0x180: {  	v46 =	vadd.s32 v10, v14;
	v15 =	vadd.s32 v17, v35  }
0x181: {  	v18 =	vor.u32 v11, v40;
	v17 =	vand.u32 $0xFFFFFF80, v15;
	v61 =	vor.u32 v9, v29;
	v9 =	vld [tilespmem:$0x1FFF0];
	[tilespmem:v55+s13+$0x0] =	vst.idx.msk $0xffff, v4  }
0x182: {  	v43 =	vand.u32 $0x7F, v12;
	[tilespmem:v54+s13+$0x0] =	vst.idx.msk $0xffff, v3;
	v3 =	vand.u32 $0x7F, v15;
	v4 =	vadd.s32 v7, v17;
	v6 =	vld.idx.msk [tilespmem:v6+s10+$0x0], $0xffff  }
0x183: {  	v20 =	vor.u32 v43, v46;
	v43 =	vld [tilespmem:$0x1FFF0];
	v3 =	vor.u32 v3, v4  }
0x184: {  	v0 =	vor.u32 v0, v38;
	v22 =	vadd.s32 v21, v30;
	v44 =	vld [tilespmem:$0x1FFC0];
	v51 =	vor.u32 v11, v32  }
0x185: {  	v45 =	vadd.s32 v21, v35;
	v30 =	vadd.s32 v25, v30;
	v57 =	vand.u32 $0xFFFFFF80, v22;
	v56 =	vld.idx.msk [tilespmem:v41+s10+$0x0], $0xffff  }
0x186: {  	v59 =	vand.u32 $0x7F, v22;
	v41 =	vadd.s32 v10, v57;
	v13 =	vor.u32 v9, v32;
	v9 =	vld [tilespmem:$0x1FFF0]  }
0x187: {  	v37 =	vadd.s32 v25, v37;
	v60 =	vor.u32 v59, v41;
	v23 =	vand.u32 $0xFFFFFF80, v30;
	[tilespmem:v18+s13+$0x0] =	vst.idx.msk $0xffff, v6  }
0x188: {  	v35 =	vadd.s32 v25, v35;
	v19 =	vadd.s32 v21, v36;
	v46 =	vor.u32 v43, v40;
	v3 =	vld.idx.msk [tilespmem:v3+s10+$0x0], $0xffff  }
0x189: {  	v33 =	vld.idx.msk [tilespmem:v33+s10+$0x0], $0xffff;
	v50 =	vand.u32 $0xFFFFFF80, v37;
	v53 =	vor.u32 v44, v32;
	[tilespmem:v51+s13+$0x0] =	vst.idx.msk $0xffff, v5;
	v22 =	vand.u32 $0xFFFFFF80, v19  }
0x18a: {  	v24 =	vand.u32 $0x7F, v30;
	v30 =	vand.u32 $0x7F, v45;
	v1 =	vld.idx.msk [tilespmem:v1+s10+$0x0], $0xffff;
	v42 =	vadd.s32 v10, v22  }
0x18b: {  	v2 =	vld.idx.msk [tilespmem:v2+s10+$0x0], $0xffff;
	v4 =	vand.u32 $0x7F, v19;
	v16 =	vor.u32 v9, v34;
	v6 =	vand.u32 $0xFFFFFF80, v45  }
0x18c: {  	[tilespmem:v58+s13+$0x0] =	vst.idx.msk $0xffff, v56;
	v56 =	vand.u32 $0xFFFFFF80, v35;
	v4 =	vor.u32 v4, v42;
	v6 =	vadd.s32 v10, v6  }
0x18d: {  	v35 =	vand.u32 $0x7F, v35;
	v6 =	vor.u32 v30, v6;
	[tilespmem:v46+s13+$0x0] =	vst.idx.msk $0xffff, v3;
	v3 =	vadd.s32 v63, v56  }
0x18e: {  	v51 =	vand.u32 $0x7F, v37;
	v36 =	vadd.s32 v25, v36;
	v3 =	vor.u32 v35, v3;
	v35 =	vld [tilespmem:$0x1FFD0]  }
0x18f: {  	v5 =	vld.idx.msk [tilespmem:v60+s10+$0x0], $0xffff;
	v54 =	vand.u32 $0xFFFFFF80, v36;
	v36 =	vand.u32 $0x7F, v36;
	[tilespmem:v13+s13+$0x0] =	vst.idx.msk $0xffff, v1;
	v1 =	vadd.s32 v63, v23  }
0x190: {  	v1 =	vor.u32 v24, v1;
	v52 =	vld.idx.msk [tilespmem:v20+s10+$0x0], $0xffff;
	[tilespmem:v16+s13+$0x0] =	vst.idx.msk $0xffff, v2;
	v2 =	vadd.s32 v63, v50  }
0x191: {  	v55 =	vor.u32 v44, v34;
	v30 =	vadd.s32 v63, v54;
	v2 =	vor.u32 v51, v2;
	v4 =	vld.idx.msk [tilespmem:v4+s10+$0x0], $0xffff  }
0x192: {  	v57 =	vor.u32 v44, v40;
	v30 =	vor.u32 v36, v30;
	v6 =	vld.idx.msk [tilespmem:v6+s10+$0x0], $0xffff  }
0x193: {  	v28 =	vld.idx.msk [tilespmem:v28+s10+$0x0], $0xffff;
	[tilespmem:v31+s13+$0x0] =	vst.idx.msk $0xffff, v33;
	v26 =	vor.u32 v35, v26  }
0x194: {  	v0 =	vld.idx.msk [tilespmem:v0+s10+$0x0], $0xffff;
	[tilespmem:v61+s13+$0x0] =	vst.idx.msk $0xffff, v5;
	v58 =	vor.u32 v35, v27  }
0x195: {  	[tilespmem:v53+s13+$0x0] =	vst.idx.msk $0xffff, v52;
	v1 =	vld.idx.msk [tilespmem:v1+s10+$0x0], $0xffff;
	v59 =	vor.u32 v35, v29  }
0x196: {  	[tilespmem:v55+s13+$0x0] =	vst.idx.msk $0xffff, v4;
	v2 =	vld.idx.msk [tilespmem:v2+s10+$0x0], $0xffff;
	v60 =	vor.u32 v35, v32  }
0x197: {  	[tilespmem:v57+s13+$0x0] =	vst.idx.msk $0xffff, v6;
	v6 =	vld.idx.msk [tilespmem:v30+s10+$0x0], $0xffff;
	v61 =	vor.u32 v35, v34  }
0x198: {  	p0 =	slt.u32 s20, $0x30;
	v63 =	vor.u32 v35, v40;
	v3 =	vld.idx.msk [tilespmem:v3+s10+$0x0], $0xffff;
	[tilespmem:v26+s13+$0x0] =	vst.idx.msk $0xffff, v28  }
.Ltmp1:
0x199: {  	[tilespmem:v58+s13+$0x0] =	vst.idx.msk $0xffff, v0;
	(pc) =	sbr.rel @p0 .LBB2_5-.Ltmp1, $4  }
0x19a: {  	[tilespmem:v59+s13+$0x0] =	vst.idx.msk $0xffff, v1  }
0x19b: {  	[tilespmem:v60+s13+$0x0] =	vst.idx.msk $0xffff, v2  }
0x19c: {  	[tilespmem:v61+s13+$0x0] =	vst.idx.msk $0xffff, v6  }
0x19d: {  	s20 =	sadd.s32 $0x10, s20;
	v49 =	vmov v11;
	[tilespmem:v63+s13+$0x0] =	vst.idx.msk $0xffff, v3  }
0x19e: {  	s20 =	sadd.s32 s6, s18;
	s18 =	sadd.s32 $0x1, s18  }
0x19f: {  	p0 =	sne.s32 s18, $0xC8  }
.Ltmp2:
0x1a0: {  	s21 =	sshll.u32 s20, $0x7;
	(pc) =	sbr.rel @p0 .LBB2_4-.Ltmp2, $4  }
0x1a1: {  	s20 =	sshll.u32 s20, $0xA;
	s21 =	sand.u32 $0xF80, s21  }
0x1a2: {  	s19 =	sshll.u32 s19, $0xD;
	s20 =	sand.u32 $0xFFF8000, s20;
	s21 =	sadd.s32 s2, s21  }
0x1a3: {  	s19 =	sor.u32 $0x18800, s19;
	s20 =	sadd.s32 s20, s21  }
0x1a4: {  	[hbm4b:s20+s14] =	stream.strided.scatter [tilespmem:s19], [sflag:$0x2], $0x2000, s15, s14, $0x38;
	[tilespmem:$0x1C800] =	vst v63  }
0x1a5: {  	s17 =	sadd.s32 $0x1, s17  }
0x1a6: {  	_ =	swait.ge [sflag:s16], $0x2000;
	p0 =	sne.s32 s17, s7  }
.Ltmp3:
0x1a7: {  	[sflag:s16] =	ssyncset.done $0x0;
	(pc) =	sbr.rel @p0 .LBB2_1-.Ltmp3, $4  }
0x1a8: {  	[sflag:s16] =	ssyncadd.s32 $0xFFFFE000  }
0x1a9: {  	_ =	swait.ge [sflag:s16], $0x2000  }
0x1aa: {  	[sflag:s16] =	ssyncset.done $0x0  }
0x1ab: {  	[sflag:s16] =	ssyncadd.s32 $0xFFFFE000  }
0x1ac: {  	_ =	sfence.sel $0x180000  }
0x1ad: {  	[bflag:$0x0] =	sbarrier.arrive $0xFFFF  }
0x1ae: {  	p0 =	sne.s32 s0, $0x0;
	_ =	strace $0x90000047  }
0x1af: {  	s0 =	sadd.s32 @!p0 $0x100000, s1;
	[bflag:$0x2] =	sbarrier.arrive $0xFFFF  }
0x1b0: {  	[sflag:s0] =	ssyncadd.tile.s32 @!p0 $0x1;
	_ =	shalt  }
.Lfunc_end2:
_tile_overlayer_lowered:
.L_overlay_start_2:
0x1b1: {  	(tag) =	ssettag $0x2  }
0x1b2: {  	s0 =	rddreg [dreg:$0x0];
	s2 =	stileid.u32  }
0x1b3: {  	s1 =	rddreg [dreg:$0x1];
	p0 =	sne.s32 s2, $0x0  }
0x1b4: {  	s3 =	rddreg [dreg:$0x2];
	[bflag:$0x3] =	sbarrier.arrive $0xFFFF;
	s2 =	simm.s32 @!p0 $0x1C03  }
0x1b5: {  	[timem:s3], [sflag:s2] =	dma.local @!p0 [hbm:s0], s1  }
0x1b6: {  	s0 =	simm.s32 @!p0 $0x3  }
0x1b7: {  	_ =	swait.ge @!p0 [sflag:s0], s1  }
0x1b8: {  	s1 =	ssub.s32 @!p0 $0x0, s1;
	[sflag:s0] =	ssyncset.done @!p0 $0x0  }
0x1b9: {  	[sflag:s0] =	ssyncadd.s32 @!p0 s1  }
0x1ba: {  	[bflag:$0x3] =	sbarrier.arrive $0xFFFF  }
0x1bb: {  	_ =	shalt  }

</sc_bundles>
